<compile_context>
chip_gen: v7x
topology: tpu7x:2x2x1
jax: 0.10.2.dev20260603
libtpu: 0.0.44.dev20260713+nightly
codegen_flags: <defaults>
</compile_context>

<pallas_src>
import functools

import jax
import jax.numpy as jnp
from jax import lax
from jax.experimental import pallas as pl
from jax.experimental.pallas import tpu as pltpu
from jax.experimental.pallas import tpu_sc as plsc

_FT = 512
_NW = 32


def _safe_div(num, den):
    den = jnp.where(jnp.abs(den) < 1e-12, jnp.where(den < 0, -1e-12, 1e-12), den)
    return num / den


def _tc_body(p_ref, a_ref, b_ref, c_ref, wts_ref, hf_ref, cf_ref, nrm_ref):
    S = p_ref.shape[0]
    Fp = a_ref.shape[1]
    n_tiles = Fp // _FT

    px = p_ref[:, 0:1]
    py = p_ref[:, 1:2]
    pz = p_ref[:, 2:3]

    def tile(t, carry):
        (bd2, bu, bv, bw, bhx, bhy, bhz, bnx, bny, bnz, bf0, bf1, bf2) = carry
        ds = pl.ds(t * _FT, _FT)
        ax = a_ref[0:1, ds]; ay = a_ref[1:2, ds]; az = a_ref[2:3, ds]
        bx = b_ref[0:1, ds]; by = b_ref[1:2, ds]; bz = b_ref[2:3, ds]
        cx = c_ref[0:1, ds]; cy = c_ref[1:2, ds]; cz = c_ref[2:3, ds]
        f0 = a_ref[3:4, ds]; f1 = b_ref[3:4, ds]; f2 = c_ref[3:4, ds]

        abx = bx - ax; aby = by - ay; abz = bz - az
        acx = cx - ax; acy = cy - ay; acz = cz - az

        apx = px - ax; apy = py - ay; apz = pz - az
        d1 = (abx * apx + abz * apz) + aby * apy
        d2 = (acx * apx + acz * apz) + acy * apy
        bpx = px - bx; bpy = py - by; bpz = pz - bz
        d3 = (abx * bpx + abz * bpz) + aby * bpy
        d4 = (acx * bpx + acz * bpz) + acy * bpy
        cpx = px - cx; cpy = py - cy; cpz = pz - cz
        d5 = (abx * cpx + abz * cpz) + aby * cpy
        d6 = (acx * cpx + acz * cpz) + acy * cpy

        vc = d1 * d4 - d3 * d2
        vb = d5 * d2 - d1 * d6
        va = d3 * d6 - d5 * d4
        v_ab = _safe_div(d1, d1 - d3)
        w_ac = _safe_div(d2, d2 - d6)
        w_bc = _safe_div(d4 - d3, (d4 - d3) + (d5 - d6))
        denom = _safe_div(jnp.ones_like(va), va + vb + vc)
        v_in = vb * denom
        w_in = vc * denom
        z = jnp.zeros_like(d1)
        o = jnp.ones_like(d1)
        c1 = (d1 <= 0) & (d2 <= 0)
        c2 = (d3 >= 0) & (d4 <= d3)
        c3 = (vc <= 0) & (d1 >= 0) & (d3 <= 0)
        c4 = (d6 >= 0) & (d5 <= d6)
        c5 = (vb <= 0) & (d2 >= 0) & (d6 <= 0)
        c6 = (va <= 0) & ((d4 - d3) >= 0) & ((d5 - d6) >= 0)
        conds = [c1, c2, c3, c4, c5, c6]

        def _select(vals, default):
            out = default
            for cnd, val in reversed(list(zip(conds, vals))):
                out = jnp.where(cnd, val, out)
            return out

        u = _select([o, z, o - v_ab, z, o - w_ac, z], o - v_in - w_in)
        v = _select([z, o, v_ab, z, z, o - w_bc], v_in)
        w = _select([z, z, z, o, w_ac, w_bc], w_in)

        hx = (u * ax + v * bx) + w * cx
        hy = (u * ay + v * by) + w * cy
        hz = (u * az + v * bz) + w * cz
        dx = hx - px; dy = hy - py; dz = hz - pz
        d2t = (dx * dx + dz * dz) + dy * dy

        nxf = aby * acz - abz * acy
        nyf = abz * acx - abx * acz
        nzf = abx * acy - aby * acx

        m = jnp.min(d2t, axis=1, keepdims=True)
        lane = lax.broadcasted_iota(jnp.int32, (S, _FT), 1)
        lsel = jnp.min(jnp.where(d2t == m, lane, _FT), axis=1, keepdims=True)
        onehot = lane == lsel

        def pick(q):
            return jnp.sum(jnp.where(onehot, q, 0.0), axis=1, keepdims=True)

        tu = pick(u); tv = pick(v); tw = pick(w)
        thx = pick(hx); thy = pick(hy); thz = pick(hz)
        tnx = pick(nxf); tny = pick(nyf); tnz = pick(nzf)
        tf0 = pick(f0); tf1 = pick(f1); tf2 = pick(f2)

        better = m < bd2
        bd2 = jnp.where(better, m, bd2)
        bu = jnp.where(better, tu, bu)
        bv = jnp.where(better, tv, bv)
        bw = jnp.where(better, tw, bw)
        bhx = jnp.where(better, thx, bhx)
        bhy = jnp.where(better, thy, bhy)
        bhz = jnp.where(better, thz, bhz)
        bnx = jnp.where(better, tnx, bnx)
        bny = jnp.where(better, tny, bny)
        bnz = jnp.where(better, tnz, bnz)
        bf0 = jnp.where(better, tf0, bf0)
        bf1 = jnp.where(better, tf1, bf1)
        bf2 = jnp.where(better, tf2, bf2)
        return (bd2, bu, bv, bw, bhx, bhy, bhz, bnx, bny, bnz, bf0, bf1, bf2)

    zf = jnp.zeros((S, 1), jnp.float32)
    init = (jnp.full((S, 1), jnp.inf, jnp.float32),
            zf, zf, zf, zf, zf, zf, zf, zf, zf, zf, zf, zf)
    (bd2, bu, bv, bw, bhx, bhy, bhz, bnx, bny, bnz, bf0, bf1, bf2) = \
        lax.fori_loop(0, n_tiles, tile, init)

    sdot = ((px - bhx) * bnx + (pz - bhz) * bnz) + (py - bhy) * bny
    sgn = jnp.sign(sdot)
    dist = jnp.sqrt(jnp.maximum(bd2, 1e-12))
    sdf = dist * sgn

    dxo = bhx - px; dyo = bhy - py; dzo = bhz - pz
    nrm = jnp.maximum(jnp.sqrt((dxo * dxo + dzo * dzo) + dyo * dyo), 1e-6)

    wts_ref[:, 0:1] = bu
    wts_ref[:, 1:2] = bv
    wts_ref[:, 2:3] = bw
    hf_ref[:, 0:1] = bf0.astype(jnp.int32)
    hf_ref[:, 1:2] = bf1.astype(jnp.int32)
    hf_ref[:, 2:3] = bf2.astype(jnp.int32)
    cf_ref[:, 0:1] = bv
    cf_ref[:, 1:2] = bw
    cf_ref[:, 2:3] = sdf
    nrm_ref[:, 0:1] = dxo / nrm
    nrm_ref[:, 1:2] = dyo / nrm
    nrm_ref[:, 2:3] = dzo / nrm


def _closest_point_tc(coords, at, bt, ct):
    B, S, _ = coords.shape
    Fp = at.shape[2]
    face_spec = pl.BlockSpec((None, 4, Fp), lambda b: (b, 0, 0))
    out3_spec = pl.BlockSpec((None, S, 3), lambda b: (b, 0, 0))
    return pl.pallas_call(
        _tc_body,
        grid=(B,),
        in_specs=[pl.BlockSpec((None, S, 3), lambda b: (b, 0, 0)),
                  face_spec, face_spec, face_spec],
        out_specs=[out3_spec, out3_spec, out3_spec, out3_spec],
        out_shape=[jax.ShapeDtypeStruct((B, S, 3), jnp.float32),
                   jax.ShapeDtypeStruct((B, S, 3), jnp.int32),
                   jax.ShapeDtypeStruct((B, S, 3), jnp.float32),
                   jax.ShapeDtypeStruct((B, S, 3), jnp.float32)],
    )(coords, at, bt, ct)


def _sc_body(iq0_hbm, iq1_hbm, iq2_hbm, cb_hbm, r0_out, r1_out, r2_out,
             iq0_v, iq1_v, iq2_v, r0_v, r1_v, r2_v, sem):
    ppw = iq0_v.shape[0]
    cid = lax.axis_index("c")
    sid = lax.axis_index("s")
    wid = sid * 2 + cid
    base = wid * ppw

    pltpu.sync_copy(iq0_hbm.at[pl.ds(base, ppw)], iq0_v)
    pltpu.sync_copy(iq1_hbm.at[pl.ds(base, ppw)], iq1_v)
    pltpu.sync_copy(iq2_hbm.at[pl.ds(base, ppw)], iq2_v)

    g0 = pltpu.async_copy(cb_hbm.at[iq0_v], r0_v, sem)
    g1 = pltpu.async_copy(cb_hbm.at[iq1_v], r1_v, sem)
    g2 = pltpu.async_copy(cb_hbm.at[iq2_v], r2_v, sem)
    g0.wait()
    g1.wait()
    g2.wait()

    pltpu.sync_copy(r0_v, r0_out.at[pl.ds(base, ppw)])
    pltpu.sync_copy(r1_v, r1_out.at[pl.ds(base, ppw)])
    pltpu.sync_copy(r2_v, r2_out.at[pl.ds(base, ppw)])


def _gather_sc(iq0, iq1, iq2, cb4):
    N = iq0.shape[0]
    W = cb4.shape[1]
    ppw = N // _NW
    mesh = plsc.VectorSubcoreMesh(core_axis_name="c", subcore_axis_name="s")
    row = jax.ShapeDtypeStruct((N, W), jnp.float32)
    kern = functools.partial(
        pl.kernel,
        mesh=mesh,
        out_type=[row, row, row],
        scratch_types=[
            pltpu.VMEM((ppw,), jnp.int32),
            pltpu.VMEM((ppw,), jnp.int32),
            pltpu.VMEM((ppw,), jnp.int32),
            pltpu.VMEM((ppw, W), jnp.float32),
            pltpu.VMEM((ppw, W), jnp.float32),
            pltpu.VMEM((ppw, W), jnp.float32),
            pltpu.SemaphoreType.DMA,
        ],
    )(_sc_body)
    return kern(iq0, iq1, iq2, cb4)


def _wsum_body(r0_ref, r1_ref, r2_ref, md_ref, w_ref, out_ref):
    D = out_ref.shape[1]

    def seg(r_ref, k):
        mk = md_ref[:, k:k + 1]
        out = r_ref[:, 0 * D:1 * D]
        for q in (1, 2, 3):
            out = jnp.where(mk == q, r_ref[:, q * D:(q + 1) * D], out)
        return out

    w0 = w_ref[:, 0:1]
    w1 = w_ref[:, 1:2]
    w2 = w_ref[:, 2:3]
    out_ref[:, :] = (seg(r0_ref, 0) * w0 + seg(r1_ref, 1) * w1) \
        + seg(r2_ref, 2) * w2


def _wsum_tc(r0, r1, r2, mods, w2d):
    N, W = r0.shape
    D = W // 4
    CH = 512
    sup_spec = pl.BlockSpec((CH, W), lambda i: (i, 0))
    tri_spec = pl.BlockSpec((CH, 3), lambda i: (i, 0))
    return pl.pallas_call(
        _wsum_body,
        grid=(N // CH,),
        in_specs=[sup_spec, sup_spec, sup_spec, tri_spec, tri_spec],
        out_specs=pl.BlockSpec((CH, D), lambda i: (i, 0)),
        out_shape=jax.ShapeDtypeStruct((N, D), jnp.float32),
    )(r0, r1, r2, mods, w2d)


def kernel(coords, idx, smpl_V, smpl_F, feature_codebooks):
    B, S, _ = coords.shape
    V = smpl_V.shape[1]
    F = smpl_F.shape[0]
    NS, _, D = feature_codebooks.shape

    sf = smpl_F.astype(jnp.int32)
    verts = smpl_V[:, sf.reshape(-1)]
    a = verts[:, 0::3]
    b = verts[:, 1::3]
    c = verts[:, 2::3]
    Fp = ((F + _FT - 1) // _FT) * _FT

    def face_planes(verts, ids):
        vt = verts.transpose(0, 2, 1)
        idr = jnp.broadcast_to(ids.astype(jnp.float32)[None, None, :],
                               (B, 1, F))
        pl4 = jnp.concatenate([vt, idr], 1)
        pad = jnp.full((B, 4, Fp - F), 1e9, jnp.float32).at[:, 3, :].set(0.0)
        return jnp.concatenate([pl4, pad], 2)

    at = face_planes(a, sf[:, 0])
    bt = face_planes(b, sf[:, 1])
    ct = face_planes(c, sf[:, 2])

    wts, hf, cf, nrm = _closest_point_tc(coords, at, bt, ct)

    rb = jnp.broadcast_to((jnp.arange(B, dtype=jnp.int32) * V)[:, None], (B, S))
    gidx = rb[..., None] + hf
    gflat = gidx.reshape(B * S, 3)
    iq = gflat >> 2
    mods = gflat & 3

    cb_used = feature_codebooks[idx]
    cb4 = cb_used.reshape((B * V) // 4, 4 * D)
    r0, r1, r2 = _gather_sc(iq[:, 0], iq[:, 1], iq[:, 2], cb4)
    wf = _wsum_tc(r0, r1, r2, mods, wts.reshape(B * S, 3))
    return wf.reshape(B, S, D), cf, nrm

# --- scband reference (transcript-rebuilt; emitter-appended) ---
"""Pipeline reference for scband-feature-dictionary-32942399160428 (READ-ONLY COPY).

The authoritative reference and input builder live on the scoring server;
editing this copy changes nothing except your own understanding.
"""

import jax, jax.numpy as jnp
import numpy as np


def _safe_div(num, den):
    den = jnp.where(jnp.abs(den) < 1e-12, jnp.where(den < 0, -1e-12, 1e-12), den)
    return num / den


def _closest_point_triangles(p, a, b, c):
    # p: [3]; a, b, c: [F, 3]  (Ericson closest-point-on-triangle)
    ab = b - a; ac = c - a; ap = p - a
    d1 = jnp.sum(ab * ap, -1); d2 = jnp.sum(ac * ap, -1)
    bp = p - b; d3 = jnp.sum(ab * bp, -1); d4 = jnp.sum(ac * bp, -1)
    cp = p - c; d5 = jnp.sum(ab * cp, -1); d6 = jnp.sum(ac * cp, -1)
    vc = d1 * d4 - d3 * d2
    vb = d5 * d2 - d1 * d6
    va = d3 * d6 - d5 * d4
    v_ab = _safe_div(d1, d1 - d3)
    w_ac = _safe_div(d2, d2 - d6)
    w_bc = _safe_div(d4 - d3, (d4 - d3) + (d5 - d6))
    denom = _safe_div(jnp.ones_like(va), va + vb + vc)
    v_in = vb * denom; w_in = vc * denom
    z = jnp.zeros_like(d1); o = jnp.ones_like(d1)
    c1 = (d1 <= 0) & (d2 <= 0)
    c2 = (d3 >= 0) & (d4 <= d3)
    c3 = (vc <= 0) & (d1 >= 0) & (d3 <= 0)
    c4 = (d6 >= 0) & (d5 <= d6)
    c5 = (vb <= 0) & (d2 >= 0) & (d6 <= 0)
    c6 = (va <= 0) & ((d4 - d3) >= 0) & ((d5 - d6) >= 0)
    conds = [c1, c2, c3, c4, c5, c6]
    u = jnp.select(conds, [o, z, o - v_ab, z, o - w_ac, z], o - v_in - w_in)
    v = jnp.select(conds, [z, o, v_ab, z, z, o - w_bc], v_in)
    w = jnp.select(conds, [z, z, z, o, w_ac, w_bc], w_in)
    cpnt = u[:, None] * a + v[:, None] * b + w[:, None] * c
    wts = jnp.stack([u, v, w], -1)
    return cpnt, wts


def batched_closest_point_fast(smpl_V, smpl_F, coords):
    a = smpl_V[:, smpl_F[:, 0]]  # [B, F, 3]
    b = smpl_V[:, smpl_F[:, 1]]
    c = smpl_V[:, smpl_F[:, 2]]

    def per_batch(a_b, b_b, c_b, pts):
        def per_point(p):
            cpnt, wts = _closest_point_triangles(p, a_b, b_b, c_b)
            d2 = jnp.sum((cpnt - p) ** 2, -1)
            fid = jnp.argmin(d2)
            hit = cpnt[fid]
            wt = wts[fid]
            dist = jnp.sqrt(jnp.maximum(d2[fid], 1e-12))
            n = jnp.cross(b_b[fid] - a_b[fid], c_b[fid] - a_b[fid])
            sgn = jnp.sign(jnp.sum((p - hit) * n))
            return dist * sgn, hit, fid, wt
        return jax.lax.map(per_point, pts)

    sdf, hitpt, fid, weights = jax.vmap(per_batch)(a, b, c, coords)
    return sdf[..., None], hitpt, fid, weights


def setup_inputs(seed: int = 0):
    key = jax.random.key(seed)
    ks = jax.random.split(key, 5)
    B, S, V, Fc, D, NS = 4, 512, 6890, 13776, 32, 256
    coords = jax.random.normal(ks[0], (B, S, 3), dtype=jnp.float32)
    idx = jax.random.randint(ks[1], (B,), 0, NS)
    smpl_V = jax.random.normal(ks[2], (B, V, 3), dtype=jnp.float32)
    smpl_F = jax.random.randint(ks[3], (Fc, 3), 0, V)
    # feature_bias + randn * feature_std, per init_from_smpl_vertices
    feature_codebooks = 0.0 + 0.1 * jax.random.normal(ks[4], (NS, V, D), dtype=jnp.float32)
    return {"coords": coords, "idx": idx, "smpl_V": smpl_V, "smpl_F": smpl_F,
            "feature_codebooks": feature_codebooks}


def reference(coords, idx, smpl_V, smpl_F, feature_codebooks):
    sdf, hitpt, fid, weights = batched_closest_point_fast(smpl_V, smpl_F, coords)
    diff = hitpt - coords
    nrm = jnp.maximum(jnp.linalg.norm(diff, axis=2, keepdims=True), 1e-06)
    normal = diff / nrm
    hitface = smpl_F[fid]  # [B, S, 3]
    # gather: out[b,s,k,d] = feature_codebooks[idx[b], hitface[b,s,k], d]
    nearest_feats = feature_codebooks[idx[:, None, None], hitface]  # [B, S, 3, D]
    weighted_feats = jnp.sum(nearest_feats * weights[..., None], axis=2)
    coords_feats = jnp.concatenate([weights[..., 1:], sdf], axis=-1)
    return (weighted_feats, coords_feats, normal)

if __name__ == "__main__":
    import jax
    _d = setup_inputs()
    print(jax.jit(kernel)(*tuple(_d.values())))

</pallas_src>

<mosaic_0001>
#map = affine_map<(d0, d1) -> (0)>
#map1 = affine_map<(d0, d1) -> (0, 0)>
module attributes {stable_mosaic.version = 14 : i64} {
  func.func @_sc_body(%arg0: i32, %arg1: i32, %arg2: memref<2048xi32, #tpu.memory_space<hbm>>, %arg3: memref<2048xi32, #tpu.memory_space<hbm>>, %arg4: memref<2048xi32, #tpu.memory_space<hbm>>, %arg5: memref<6890x128xf32, #tpu.memory_space<hbm>>, %arg6: memref<2048x128xf32, #tpu.memory_space<hbm>>, %arg7: memref<2048x128xf32, #tpu.memory_space<hbm>>, %arg8: memref<2048x128xf32, #tpu.memory_space<hbm>>, %arg9: memref<64xi32, #tpu.memory_space<vmem>>, %arg10: memref<64xi32, #tpu.memory_space<vmem>>, %arg11: memref<64xi32, #tpu.memory_space<vmem>>, %arg12: memref<64x128xf32, #tpu.memory_space<vmem>>, %arg13: memref<64x128xf32, #tpu.memory_space<vmem>>, %arg14: memref<64x128xf32, #tpu.memory_space<vmem>>, %arg15: memref<!tpu.dma_semaphore, #tpu.memory_space<semaphore_mem>>) attributes {dimension_semantics = [#tpu.dimension_semantics<core_parallel>, #tpu.dimension_semantics<subcore_parallel>], iteration_bounds = array<i64: 2, 16>, scalar_prefetch = 0 : i64, scratch_operands = 7 : i64, tpu.core_type = #tpu.core_type<sc_vector_subcore>, window_params = [{transform_indices = #map}, {transform_indices = #map}, {transform_indices = #map}, {transform_indices = #map1}, {transform_indices = #map1}, {transform_indices = #map1}, {transform_indices = #map1}]} {
    %mul3A = arith.constant 2 : i32
    %mul3A_0 = arith.muli %arg1, %mul3A : i32
    %add3A = arith.addi %mul3A_0, %arg0 : i32
    %mul3A_1 = arith.constant 64 : i32
    %mul3A_2 = arith.muli %add3A, %mul3A_1 : i32
    "tpu.region"() ({
      %run_scoped3A = tpu.sem_alloc : memref<!tpu.dma_semaphore, #tpu.memory_space<semaphore_mem>>
      %dma_start3A_19 = tpu.memref_slice %arg2[%mul3A_2] : memref<2048xi32, #tpu.memory_space<hbm>> -> memref<64xi32, #tpu.memory_space<hbm>>
      %dma_start3A_20 = tpu.memref_slice %arg2[%mul3A_2] : memref<2048xi32, #tpu.memory_space<hbm>> -> memref<64xi32, #tpu.memory_space<hbm>>
      tpu.enqueue_dma source(%dma_start3A_20 : memref<64xi32, #tpu.memory_space<hbm>>) target(%arg9 : memref<64xi32, #tpu.memory_space<vmem>>) target_semaphore(%run_scoped3A : memref<!tpu.dma_semaphore, #tpu.memory_space<semaphore_mem>>)
      %dma_wait3A_21 = tpu.memref_slice %arg2[%mul3A_2] : memref<2048xi32, #tpu.memory_space<hbm>> -> memref<64xi32, #tpu.memory_space<hbm>>
      %dma_wait3A_22 = tpu.memref_slice %arg2[%mul3A_2] : memref<2048xi32, #tpu.memory_space<hbm>> -> memref<64xi32, #tpu.memory_space<hbm>>
      tpu.wait_dma2 semaphore(%run_scoped3A : memref<!tpu.dma_semaphore, #tpu.memory_space<semaphore_mem>>) src(%dma_wait3A_22 : memref<64xi32, #tpu.memory_space<hbm>>) dst(%arg9 : memref<64xi32, #tpu.memory_space<vmem>>)
      tpu.yield
    }) : () -> ()
    "tpu.region"() ({
      %run_scoped3A = tpu.sem_alloc : memref<!tpu.dma_semaphore, #tpu.memory_space<semaphore_mem>>
      %dma_start3A_19 = tpu.memref_slice %arg3[%mul3A_2] : memref<2048xi32, #tpu.memory_space<hbm>> -> memref<64xi32, #tpu.memory_space<hbm>>
      %dma_start3A_20 = tpu.memref_slice %arg3[%mul3A_2] : memref<2048xi32, #tpu.memory_space<hbm>> -> memref<64xi32, #tpu.memory_space<hbm>>
      tpu.enqueue_dma source(%dma_start3A_20 : memref<64xi32, #tpu.memory_space<hbm>>) target(%arg10 : memref<64xi32, #tpu.memory_space<vmem>>) target_semaphore(%run_scoped3A : memref<!tpu.dma_semaphore, #tpu.memory_space<semaphore_mem>>)
      %dma_wait3A_21 = tpu.memref_slice %arg3[%mul3A_2] : memref<2048xi32, #tpu.memory_space<hbm>> -> memref<64xi32, #tpu.memory_space<hbm>>
      %dma_wait3A_22 = tpu.memref_slice %arg3[%mul3A_2] : memref<2048xi32, #tpu.memory_space<hbm>> -> memref<64xi32, #tpu.memory_space<hbm>>
      tpu.wait_dma2 semaphore(%run_scoped3A : memref<!tpu.dma_semaphore, #tpu.memory_space<semaphore_mem>>) src(%dma_wait3A_22 : memref<64xi32, #tpu.memory_space<hbm>>) dst(%arg10 : memref<64xi32, #tpu.memory_space<vmem>>)
      tpu.yield
    }) : () -> ()
    "tpu.region"() ({
      %run_scoped3A = tpu.sem_alloc : memref<!tpu.dma_semaphore, #tpu.memory_space<semaphore_mem>>
      %dma_start3A_19 = tpu.memref_slice %arg4[%mul3A_2] : memref<2048xi32, #tpu.memory_space<hbm>> -> memref<64xi32, #tpu.memory_space<hbm>>
      %dma_start3A_20 = tpu.memref_slice %arg4[%mul3A_2] : memref<2048xi32, #tpu.memory_space<hbm>> -> memref<64xi32, #tpu.memory_space<hbm>>
      tpu.enqueue_dma source(%dma_start3A_20 : memref<64xi32, #tpu.memory_space<hbm>>) target(%arg11 : memref<64xi32, #tpu.memory_space<vmem>>) target_semaphore(%run_scoped3A : memref<!tpu.dma_semaphore, #tpu.memory_space<semaphore_mem>>)
      %dma_wait3A_21 = tpu.memref_slice %arg4[%mul3A_2] : memref<2048xi32, #tpu.memory_space<hbm>> -> memref<64xi32, #tpu.memory_space<hbm>>
      %dma_wait3A_22 = tpu.memref_slice %arg4[%mul3A_2] : memref<2048xi32, #tpu.memory_space<hbm>> -> memref<64xi32, #tpu.memory_space<hbm>>
      tpu.wait_dma2 semaphore(%run_scoped3A : memref<!tpu.dma_semaphore, #tpu.memory_space<semaphore_mem>>) src(%dma_wait3A_22 : memref<64xi32, #tpu.memory_space<hbm>>) dst(%arg11 : memref<64xi32, #tpu.memory_space<vmem>>)
      tpu.yield
    }) : () -> ()
    %dma_start3A = arith.constant 0 : i32
    %dma_start3A_3 = arith.constant 0 : i32
    %dma_start3A_4 = tpu.memref_slice %arg5[%dma_start3A, %dma_start3A_3] : memref<6890x128xf32, #tpu.memory_space<hbm>> -> memref<6890x128xf32, #tpu.memory_space<hbm>>
    tpu.enqueue_indirect_dma source(%dma_start3A_4 : memref<6890x128xf32, #tpu.memory_space<hbm>>) target(%arg12 : memref<64x128xf32, #tpu.memory_space<vmem>>) offsets(%arg9 : memref<64xi32, #tpu.memory_space<vmem>>) semaphore(%arg15 : memref<!tpu.dma_semaphore, #tpu.memory_space<semaphore_mem>>)
    %dma_start3A_5 = arith.constant 0 : i32
    %dma_start3A_6 = arith.constant 0 : i32
    %dma_start3A_7 = tpu.memref_slice %arg5[%dma_start3A_5, %dma_start3A_6] : memref<6890x128xf32, #tpu.memory_space<hbm>> -> memref<6890x128xf32, #tpu.memory_space<hbm>>
    tpu.enqueue_indirect_dma source(%dma_start3A_7 : memref<6890x128xf32, #tpu.memory_space<hbm>>) target(%arg13 : memref<64x128xf32, #tpu.memory_space<vmem>>) offsets(%arg10 : memref<64xi32, #tpu.memory_space<vmem>>) semaphore(%arg15 : memref<!tpu.dma_semaphore, #tpu.memory_space<semaphore_mem>>)
    %dma_start3A_8 = arith.constant 0 : i32
    %dma_start3A_9 = arith.constant 0 : i32
    %dma_start3A_10 = tpu.memref_slice %arg5[%dma_start3A_8, %dma_start3A_9] : memref<6890x128xf32, #tpu.memory_space<hbm>> -> memref<6890x128xf32, #tpu.memory_space<hbm>>
    tpu.enqueue_indirect_dma source(%dma_start3A_10 : memref<6890x128xf32, #tpu.memory_space<hbm>>) target(%arg14 : memref<64x128xf32, #tpu.memory_space<vmem>>) offsets(%arg11 : memref<64xi32, #tpu.memory_space<vmem>>) semaphore(%arg15 : memref<!tpu.dma_semaphore, #tpu.memory_space<semaphore_mem>>)
    %dma_wait3A = arith.constant 0 : i32
    %dma_wait3A_11 = arith.constant 0 : i32
    %dma_wait3A_12 = tpu.memref_slice %arg5[%dma_wait3A, %dma_wait3A_11] : memref<6890x128xf32, #tpu.memory_space<hbm>> -> memref<6890x128xf32, #tpu.memory_space<hbm>>
    tpu.wait_indirect_dma semaphore(%arg15 : memref<!tpu.dma_semaphore, #tpu.memory_space<semaphore_mem>>) src(%dma_wait3A_12 : memref<6890x128xf32, #tpu.memory_space<hbm>>) dst(%arg12 : memref<64x128xf32, #tpu.memory_space<vmem>>)
    %dma_wait3A_13 = arith.constant 0 : i32
    %dma_wait3A_14 = arith.constant 0 : i32
    %dma_wait3A_15 = tpu.memref_slice %arg5[%dma_wait3A_13, %dma_wait3A_14] : memref<6890x128xf32, #tpu.memory_space<hbm>> -> memref<6890x128xf32, #tpu.memory_space<hbm>>
    tpu.wait_indirect_dma semaphore(%arg15 : memref<!tpu.dma_semaphore, #tpu.memory_space<semaphore_mem>>) src(%dma_wait3A_15 : memref<6890x128xf32, #tpu.memory_space<hbm>>) dst(%arg13 : memref<64x128xf32, #tpu.memory_space<vmem>>)
    %dma_wait3A_16 = arith.constant 0 : i32
    %dma_wait3A_17 = arith.constant 0 : i32
    %dma_wait3A_18 = tpu.memref_slice %arg5[%dma_wait3A_16, %dma_wait3A_17] : memref<6890x128xf32, #tpu.memory_space<hbm>> -> memref<6890x128xf32, #tpu.memory_space<hbm>>
    tpu.wait_indirect_dma semaphore(%arg15 : memref<!tpu.dma_semaphore, #tpu.memory_space<semaphore_mem>>) src(%dma_wait3A_18 : memref<6890x128xf32, #tpu.memory_space<hbm>>) dst(%arg14 : memref<64x128xf32, #tpu.memory_space<vmem>>)
    "tpu.region"() ({
      %run_scoped3A = tpu.sem_alloc : memref<!tpu.dma_semaphore, #tpu.memory_space<semaphore_mem>>
      %dma_start3A_19 = arith.constant 0 : i32
      %dma_start3A_20 = tpu.memref_slice %arg6[%mul3A_2, %dma_start3A_19] : memref<2048x128xf32, #tpu.memory_space<hbm>> -> memref<64x128xf32, #tpu.memory_space<hbm>>
      %dma_start3A_21 = arith.constant 0 : i32
      %dma_start3A_22 = tpu.memref_slice %arg6[%mul3A_2, %dma_start3A_21] : memref<2048x128xf32, #tpu.memory_space<hbm>> -> memref<64x128xf32, #tpu.memory_space<hbm>>
      tpu.enqueue_dma source(%arg12 : memref<64x128xf32, #tpu.memory_space<vmem>>) target(%dma_start3A_22 : memref<64x128xf32, #tpu.memory_space<hbm>>) target_semaphore(%run_scoped3A : memref<!tpu.dma_semaphore, #tpu.memory_space<semaphore_mem>>)
      %dma_wait3A_23 = arith.constant 0 : i32
      %dma_wait3A_24 = tpu.memref_slice %arg6[%mul3A_2, %dma_wait3A_23] : memref<2048x128xf32, #tpu.memory_space<hbm>> -> memref<64x128xf32, #tpu.memory_space<hbm>>
      %dma_wait3A_25 = arith.constant 0 : i32
      %dma_wait3A_26 = tpu.memref_slice %arg6[%mul3A_2, %dma_wait3A_25] : memref<2048x128xf32, #tpu.memory_space<hbm>> -> memref<64x128xf32, #tpu.memory_space<hbm>>
      tpu.wait_dma2 semaphore(%run_scoped3A : memref<!tpu.dma_semaphore, #tpu.memory_space<semaphore_mem>>) src(%arg12 : memref<64x128xf32, #tpu.memory_space<vmem>>) dst(%dma_wait3A_26 : memref<64x128xf32, #tpu.memory_space<hbm>>)
      tpu.yield
    }) : () -> ()
    "tpu.region"() ({
      %run_scoped3A = tpu.sem_alloc : memref<!tpu.dma_semaphore, #tpu.memory_space<semaphore_mem>>
      %dma_start3A_19 = arith.constant 0 : i32
      %dma_start3A_20 = tpu.memref_slice %arg7[%mul3A_2, %dma_start3A_19] : memref<2048x128xf32, #tpu.memory_space<hbm>> -> memref<64x128xf32, #tpu.memory_space<hbm>>
      %dma_start3A_21 = arith.constant 0 : i32
      %dma_start3A_22 = tpu.memref_slice %arg7[%mul3A_2, %dma_start3A_21] : memref<2048x128xf32, #tpu.memory_space<hbm>> -> memref<64x128xf32, #tpu.memory_space<hbm>>
      tpu.enqueue_dma source(%arg13 : memref<64x128xf32, #tpu.memory_space<vmem>>) target(%dma_start3A_22 : memref<64x128xf32, #tpu.memory_space<hbm>>) target_semaphore(%run_scoped3A : memref<!tpu.dma_semaphore, #tpu.memory_space<semaphore_mem>>)
      %dma_wait3A_23 = arith.constant 0 : i32
      %dma_wait3A_24 = tpu.memref_slice %arg7[%mul3A_2, %dma_wait3A_23] : memref<2048x128xf32, #tpu.memory_space<hbm>> -> memref<64x128xf32, #tpu.memory_space<hbm>>
      %dma_wait3A_25 = arith.constant 0 : i32
      %dma_wait3A_26 = tpu.memref_slice %arg7[%mul3A_2, %dma_wait3A_25] : memref<2048x128xf32, #tpu.memory_space<hbm>> -> memref<64x128xf32, #tpu.memory_space<hbm>>
      tpu.wait_dma2 semaphore(%run_scoped3A : memref<!tpu.dma_semaphore, #tpu.memory_space<semaphore_mem>>) src(%arg13 : memref<64x128xf32, #tpu.memory_space<vmem>>) dst(%dma_wait3A_26 : memref<64x128xf32, #tpu.memory_space<hbm>>)
      tpu.yield
    }) : () -> ()
    "tpu.region"() ({
      %run_scoped3A = tpu.sem_alloc : memref<!tpu.dma_semaphore, #tpu.memory_space<semaphore_mem>>
      %dma_start3A_19 = arith.constant 0 : i32
      %dma_start3A_20 = tpu.memref_slice %arg8[%mul3A_2, %dma_start3A_19] : memref<2048x128xf32, #tpu.memory_space<hbm>> -> memref<64x128xf32, #tpu.memory_space<hbm>>
      %dma_start3A_21 = arith.constant 0 : i32
      %dma_start3A_22 = tpu.memref_slice %arg8[%mul3A_2, %dma_start3A_21] : memref<2048x128xf32, #tpu.memory_space<hbm>> -> memref<64x128xf32, #tpu.memory_space<hbm>>
      tpu.enqueue_dma source(%arg14 : memref<64x128xf32, #tpu.memory_space<vmem>>) target(%dma_start3A_22 : memref<64x128xf32, #tpu.memory_space<hbm>>) target_semaphore(%run_scoped3A : memref<!tpu.dma_semaphore, #tpu.memory_space<semaphore_mem>>)
      %dma_wait3A_23 = arith.constant 0 : i32
      %dma_wait3A_24 = tpu.memref_slice %arg8[%mul3A_2, %dma_wait3A_23] : memref<2048x128xf32, #tpu.memory_space<hbm>> -> memref<64x128xf32, #tpu.memory_space<hbm>>
      %dma_wait3A_25 = arith.constant 0 : i32
      %dma_wait3A_26 = tpu.memref_slice %arg8[%mul3A_2, %dma_wait3A_25] : memref<2048x128xf32, #tpu.memory_space<hbm>> -> memref<64x128xf32, #tpu.memory_space<hbm>>
      tpu.wait_dma2 semaphore(%run_scoped3A : memref<!tpu.dma_semaphore, #tpu.memory_space<semaphore_mem>>) src(%arg14 : memref<64x128xf32, #tpu.memory_space<vmem>>) dst(%dma_wait3A_26 : memref<64x128xf32, #tpu.memory_space<hbm>>)
      tpu.yield
    }) : () -> ()
    return
  }
}

module attributes {stable_mosaic.version = 14 : i64} {
  func.func @_tc_body(%arg0: i32, %arg1: memref<1x512x3xf32, #tpu.memory_space<vmem>>, %arg2: memref<1x4x13824xf32, #tpu.memory_space<vmem>>, %arg3: memref<1x4x13824xf32, #tpu.memory_space<vmem>>, %arg4: memref<1x4x13824xf32, #tpu.memory_space<vmem>>, %arg5: memref<1x512x3xf32, #tpu.memory_space<vmem>>, %arg6: memref<1x512x3xi32, #tpu.memory_space<vmem>>, %arg7: memref<1x512x3xf32, #tpu.memory_space<vmem>>, %arg8: memref<1x512x3xf32, #tpu.memory_space<vmem>>) attributes {dimension_semantics = [#tpu.dimension_semantics<arbitrary>], iteration_bounds = array<i64: 4>, scalar_prefetch = 0 : i64, scratch_operands = 0 : i64, tpu.core_type = #tpu.core_type<tc>, window_params = [{transform_indices = @transform_0, window_bounds = array<i64: 1, 512, 3>}, {transform_indices = @transform_1, window_bounds = array<i64: 1, 4, 13824>}, {transform_indices = @transform_2, window_bounds = array<i64: 1, 4, 13824>}, {transform_indices = @transform_3, window_bounds = array<i64: 1, 4, 13824>}, {transform_indices = @transform_4, window_bounds = array<i64: 1, 512, 3>}, {transform_indices = @transform_5, window_bounds = array<i64: 1, 512, 3>}, {transform_indices = @transform_6, window_bounds = array<i64: 1, 512, 3>}, {transform_indices = @transform_7, window_bounds = array<i64: 1, 512, 3>}]} {
    %get3A = arith.constant 0 : index
    %get3A_0 = arith.constant 0 : index
    %get3A_1 = arith.constant 0 : index
    %get3A_2 = vector.load %arg1[%get3A, %get3A_0, %get3A_1] : memref<1x512x3xf32, #tpu.memory_space<vmem>>, vector<1x512x1xf32>
    %get3A_3 = vector.shape_cast %get3A_2 : vector<1x512x1xf32> to vector<512x1xf32>
    %get3A_4 = arith.constant 0 : index
    %get3A_5 = arith.constant 0 : index
    %get3A_6 = arith.constant 1 : index
    %get3A_7 = vector.load %arg1[%get3A_4, %get3A_5, %get3A_6] : memref<1x512x3xf32, #tpu.memory_space<vmem>>, vector<1x512x1xf32>
    %get3A_8 = vector.shape_cast %get3A_7 : vector<1x512x1xf32> to vector<512x1xf32>
    %get3A_9 = arith.constant 0 : index
    %get3A_10 = arith.constant 0 : index
    %get3A_11 = arith.constant 2 : index
    %get3A_12 = vector.load %arg1[%get3A_9, %get3A_10, %get3A_11] : memref<1x512x3xf32, #tpu.memory_space<vmem>>, vector<1x512x1xf32>
    %get3A_13 = vector.shape_cast %get3A_12 : vector<1x512x1xf32> to vector<512x1xf32>
    %broadcast_in_dim3A = arith.constant 0.000000e+00 : f32
    %broadcast_in_dim3A_14 = vector.broadcast %broadcast_in_dim3A : f32 to vector<512x1xf32>
    %broadcast_in_dim3A_15 = arith.constant 0x7F800000 : f32
    %broadcast_in_dim3A_16 = vector.broadcast %broadcast_in_dim3A_15 : f32 to vector<512x1xf32>
    %scan3A = arith.constant 0 : i32
    %scan3A_17 = arith.constant 27 : i32
    %scan3A_18 = arith.addi %scan3A, %scan3A_17 : i32
    %scan3A_19 = arith.constant 1 : i32
    %scan3A_20:13 = scf.for %scan3A_129 = %scan3A to %scan3A_18 step %scan3A_19 iter_args(%scan3A_130 = %broadcast_in_dim3A_16, %scan3A_131 = %broadcast_in_dim3A_14, %scan3A_132 = %broadcast_in_dim3A_14, %scan3A_133 = %broadcast_in_dim3A_14, %scan3A_134 = %broadcast_in_dim3A_14, %scan3A_135 = %broadcast_in_dim3A_14, %scan3A_136 = %broadcast_in_dim3A_14, %scan3A_137 = %broadcast_in_dim3A_14, %scan3A_138 = %broadcast_in_dim3A_14, %scan3A_139 = %broadcast_in_dim3A_14, %scan3A_140 = %broadcast_in_dim3A_14, %scan3A_141 = %broadcast_in_dim3A_14, %scan3A_142 = %broadcast_in_dim3A_14) -> (vector<512x1xf32>, vector<512x1xf32>, vector<512x1xf32>, vector<512x1xf32>, vector<512x1xf32>, vector<512x1xf32>, vector<512x1xf32>, vector<512x1xf32>, vector<512x1xf32>, vector<512x1xf32>, vector<512x1xf32>, vector<512x1xf32>, vector<512x1xf32>)  : i32 {
      %mul3A_143 = arith.constant 512 : i32
      %mul3A_144 = arith.muli %scan3A_129, %mul3A_143 : i32
      %get3A_145 = arith.constant 0 : index
      %get3A_146 = arith.constant 0 : index
      %get3A_147 = arith.index_cast %mul3A_144 : i32 to index
      %get3A_148 = vector.load %arg2[%get3A_145, %get3A_146, %get3A_147] : memref<1x4x13824xf32, #tpu.memory_space<vmem>>, vector<1x1x512xf32>
      %get3A_149 = vector.shape_cast %get3A_148 : vector<1x1x512xf32> to vector<1x512xf32>
      %get3A_150 = arith.constant 0 : index
      %get3A_151 = arith.constant 1 : index
      %get3A_152 = arith.index_cast %mul3A_144 : i32 to index
      %get3A_153 = vector.load %arg2[%get3A_150, %get3A_151, %get3A_152] : memref<1x4x13824xf32, #tpu.memory_space<vmem>>, vector<1x1x512xf32>
      %get3A_154 = vector.shape_cast %get3A_153 : vector<1x1x512xf32> to vector<1x512xf32>
      %get3A_155 = arith.constant 0 : index
      %get3A_156 = arith.constant 2 : index
      %get3A_157 = arith.index_cast %mul3A_144 : i32 to index
      %get3A_158 = vector.load %arg2[%get3A_155, %get3A_156, %get3A_157] : memref<1x4x13824xf32, #tpu.memory_space<vmem>>, vector<1x1x512xf32>
      %get3A_159 = vector.shape_cast %get3A_158 : vector<1x1x512xf32> to vector<1x512xf32>
      %get3A_160 = arith.constant 0 : index
      %get3A_161 = arith.constant 0 : index
      %get3A_162 = arith.index_cast %mul3A_144 : i32 to index
      %get3A_163 = vector.load %arg3[%get3A_160, %get3A_161, %get3A_162] : memref<1x4x13824xf32, #tpu.memory_space<vmem>>, vector<1x1x512xf32>
      %get3A_164 = vector.shape_cast %get3A_163 : vector<1x1x512xf32> to vector<1x512xf32>
      %get3A_165 = arith.constant 0 : index
      %get3A_166 = arith.constant 1 : index
      %get3A_167 = arith.index_cast %mul3A_144 : i32 to index
      %get3A_168 = vector.load %arg3[%get3A_165, %get3A_166, %get3A_167] : memref<1x4x13824xf32, #tpu.memory_space<vmem>>, vector<1x1x512xf32>
      %get3A_169 = vector.shape_cast %get3A_168 : vector<1x1x512xf32> to vector<1x512xf32>
      %get3A_170 = arith.constant 0 : index
      %get3A_171 = arith.constant 2 : index
      %get3A_172 = arith.index_cast %mul3A_144 : i32 to index
      %get3A_173 = vector.load %arg3[%get3A_170, %get3A_171, %get3A_172] : memref<1x4x13824xf32, #tpu.memory_space<vmem>>, vector<1x1x512xf32>
      %get3A_174 = vector.shape_cast %get3A_173 : vector<1x1x512xf32> to vector<1x512xf32>
      %get3A_175 = arith.constant 0 : index
      %get3A_176 = arith.constant 0 : index
      %get3A_177 = arith.index_cast %mul3A_144 : i32 to index
      %get3A_178 = vector.load %arg4[%get3A_175, %get3A_176, %get3A_177] : memref<1x4x13824xf32, #tpu.memory_space<vmem>>, vector<1x1x512xf32>
      %get3A_179 = vector.shape_cast %get3A_178 : vector<1x1x512xf32> to vector<1x512xf32>
      %get3A_180 = arith.constant 0 : index
      %get3A_181 = arith.constant 1 : index
      %get3A_182 = arith.index_cast %mul3A_144 : i32 to index
      %get3A_183 = vector.load %arg4[%get3A_180, %get3A_181, %get3A_182] : memref<1x4x13824xf32, #tpu.memory_space<vmem>>, vector<1x1x512xf32>
      %get3A_184 = vector.shape_cast %get3A_183 : vector<1x1x512xf32> to vector<1x512xf32>
      %get3A_185 = arith.constant 0 : index
      %get3A_186 = arith.constant 2 : index
      %get3A_187 = arith.index_cast %mul3A_144 : i32 to index
      %get3A_188 = vector.load %arg4[%get3A_185, %get3A_186, %get3A_187] : memref<1x4x13824xf32, #tpu.memory_space<vmem>>, vector<1x1x512xf32>
      %get3A_189 = vector.shape_cast %get3A_188 : vector<1x1x512xf32> to vector<1x512xf32>
      %get3A_190 = arith.constant 0 : index
      %get3A_191 = arith.constant 3 : index
      %get3A_192 = arith.index_cast %mul3A_144 : i32 to index
      %get3A_193 = vector.load %arg2[%get3A_190, %get3A_191, %get3A_192] : memref<1x4x13824xf32, #tpu.memory_space<vmem>>, vector<1x1x512xf32>
      %get3A_194 = vector.shape_cast %get3A_193 : vector<1x1x512xf32> to vector<1x512xf32>
      %get3A_195 = arith.constant 0 : index
      %get3A_196 = arith.constant 3 : index
      %get3A_197 = arith.index_cast %mul3A_144 : i32 to index
      %get3A_198 = vector.load %arg3[%get3A_195, %get3A_196, %get3A_197] : memref<1x4x13824xf32, #tpu.memory_space<vmem>>, vector<1x1x512xf32>
      %get3A_199 = vector.shape_cast %get3A_198 : vector<1x1x512xf32> to vector<1x512xf32>
      %get3A_200 = arith.constant 0 : index
      %get3A_201 = arith.constant 3 : index
      %get3A_202 = arith.index_cast %mul3A_144 : i32 to index
      %get3A_203 = vector.load %arg4[%get3A_200, %get3A_201, %get3A_202] : memref<1x4x13824xf32, #tpu.memory_space<vmem>>, vector<1x1x512xf32>
      %get3A_204 = vector.shape_cast %get3A_203 : vector<1x1x512xf32> to vector<1x512xf32>
      %sub3A_205 = arith.subf %get3A_164, %get3A_149 : vector<1x512xf32>
      %sub3A_206 = arith.subf %get3A_169, %get3A_154 : vector<1x512xf32>
      %sub3A_207 = arith.subf %get3A_174, %get3A_159 : vector<1x512xf32>
      %sub3A_208 = arith.subf %get3A_179, %get3A_149 : vector<1x512xf32>
      %sub3A_209 = arith.subf %get3A_184, %get3A_154 : vector<1x512xf32>
      %sub3A_210 = arith.subf %get3A_189, %get3A_159 : vector<1x512xf32>
      %sub3A_211 = vector.broadcast %get3A_3 : vector<512x1xf32> to vector<512x512xf32>
      %sub3A_212 = vector.broadcast %get3A_149 : vector<1x512xf32> to vector<512x512xf32>
      %sub3A_213 = arith.subf %sub3A_211, %sub3A_212 : vector<512x512xf32>
      %sub3A_214 = vector.broadcast %get3A_8 : vector<512x1xf32> to vector<512x512xf32>
      %sub3A_215 = vector.broadcast %get3A_154 : vector<1x512xf32> to vector<512x512xf32>
      %sub3A_216 = arith.subf %sub3A_214, %sub3A_215 : vector<512x512xf32>
      %sub3A_217 = vector.broadcast %get3A_13 : vector<512x1xf32> to vector<512x512xf32>
      %sub3A_218 = vector.broadcast %get3A_159 : vector<1x512xf32> to vector<512x512xf32>
      %sub3A_219 = arith.subf %sub3A_217, %sub3A_218 : vector<512x512xf32>
      %mul3A_220 = vector.broadcast %sub3A_205 : vector<1x512xf32> to vector<512x512xf32>
      %mul3A_221 = arith.mulf %mul3A_220, %sub3A_213 : vector<512x512xf32>
      %mul3A_222 = vector.broadcast %sub3A_207 : vector<1x512xf32> to vector<512x512xf32>
      %mul3A_223 = arith.mulf %mul3A_222, %sub3A_219 : vector<512x512xf32>
      %add3A_224 = arith.addf %mul3A_221, %mul3A_223 : vector<512x512xf32>
      %mul3A_225 = vector.broadcast %sub3A_206 : vector<1x512xf32> to vector<512x512xf32>
      %mul3A_226 = arith.mulf %mul3A_225, %sub3A_216 : vector<512x512xf32>
      %add3A_227 = arith.addf %add3A_224, %mul3A_226 : vector<512x512xf32>
      %mul3A_228 = vector.broadcast %sub3A_208 : vector<1x512xf32> to vector<512x512xf32>
      %mul3A_229 = arith.mulf %mul3A_228, %sub3A_213 : vector<512x512xf32>
      %mul3A_230 = vector.broadcast %sub3A_210 : vector<1x512xf32> to vector<512x512xf32>
      %mul3A_231 = arith.mulf %mul3A_230, %sub3A_219 : vector<512x512xf32>
      %add3A_232 = arith.addf %mul3A_229, %mul3A_231 : vector<512x512xf32>
      %mul3A_233 = vector.broadcast %sub3A_209 : vector<1x512xf32> to vector<512x512xf32>
      %mul3A_234 = arith.mulf %mul3A_233, %sub3A_216 : vector<512x512xf32>
      %add3A_235 = arith.addf %add3A_232, %mul3A_234 : vector<512x512xf32>
      %sub3A_236 = vector.broadcast %get3A_3 : vector<512x1xf32> to vector<512x512xf32>
      %sub3A_237 = vector.broadcast %get3A_164 : vector<1x512xf32> to vector<512x512xf32>
      %sub3A_238 = arith.subf %sub3A_236, %sub3A_237 : vector<512x512xf32>
      %sub3A_239 = vector.broadcast %get3A_8 : vector<512x1xf32> to vector<512x512xf32>
      %sub3A_240 = vector.broadcast %get3A_169 : vector<1x512xf32> to vector<512x512xf32>
      %sub3A_241 = arith.subf %sub3A_239, %sub3A_240 : vector<512x512xf32>
      %sub3A_242 = vector.broadcast %get3A_13 : vector<512x1xf32> to vector<512x512xf32>
      %sub3A_243 = vector.broadcast %get3A_174 : vector<1x512xf32> to vector<512x512xf32>
      %sub3A_244 = arith.subf %sub3A_242, %sub3A_243 : vector<512x512xf32>
      %mul3A_245 = vector.broadcast %sub3A_205 : vector<1x512xf32> to vector<512x512xf32>
      %mul3A_246 = arith.mulf %mul3A_245, %sub3A_238 : vector<512x512xf32>
      %mul3A_247 = vector.broadcast %sub3A_207 : vector<1x512xf32> to vector<512x512xf32>
      %mul3A_248 = arith.mulf %mul3A_247, %sub3A_244 : vector<512x512xf32>
      %add3A_249 = arith.addf %mul3A_246, %mul3A_248 : vector<512x512xf32>
      %mul3A_250 = vector.broadcast %sub3A_206 : vector<1x512xf32> to vector<512x512xf32>
      %mul3A_251 = arith.mulf %mul3A_250, %sub3A_241 : vector<512x512xf32>
      %add3A_252 = arith.addf %add3A_249, %mul3A_251 : vector<512x512xf32>
      %mul3A_253 = vector.broadcast %sub3A_208 : vector<1x512xf32> to vector<512x512xf32>
      %mul3A_254 = arith.mulf %mul3A_253, %sub3A_238 : vector<512x512xf32>
      %mul3A_255 = vector.broadcast %sub3A_210 : vector<1x512xf32> to vector<512x512xf32>
      %mul3A_256 = arith.mulf %mul3A_255, %sub3A_244 : vector<512x512xf32>
      %add3A_257 = arith.addf %mul3A_254, %mul3A_256 : vector<512x512xf32>
      %mul3A_258 = vector.broadcast %sub3A_209 : vector<1x512xf32> to vector<512x512xf32>
      %mul3A_259 = arith.mulf %mul3A_258, %sub3A_241 : vector<512x512xf32>
      %add3A_260 = arith.addf %add3A_257, %mul3A_259 : vector<512x512xf32>
      %sub3A_261 = vector.broadcast %get3A_3 : vector<512x1xf32> to vector<512x512xf32>
      %sub3A_262 = vector.broadcast %get3A_179 : vector<1x512xf32> to vector<512x512xf32>
      %sub3A_263 = arith.subf %sub3A_261, %sub3A_262 : vector<512x512xf32>
      %sub3A_264 = vector.broadcast %get3A_8 : vector<512x1xf32> to vector<512x512xf32>
      %sub3A_265 = vector.broadcast %get3A_184 : vector<1x512xf32> to vector<512x512xf32>
      %sub3A_266 = arith.subf %sub3A_264, %sub3A_265 : vector<512x512xf32>
      %sub3A_267 = vector.broadcast %get3A_13 : vector<512x1xf32> to vector<512x512xf32>
      %sub3A_268 = vector.broadcast %get3A_189 : vector<1x512xf32> to vector<512x512xf32>
      %sub3A_269 = arith.subf %sub3A_267, %sub3A_268 : vector<512x512xf32>
      %mul3A_270 = vector.broadcast %sub3A_205 : vector<1x512xf32> to vector<512x512xf32>
      %mul3A_271 = arith.mulf %mul3A_270, %sub3A_263 : vector<512x512xf32>
      %mul3A_272 = vector.broadcast %sub3A_207 : vector<1x512xf32> to vector<512x512xf32>
      %mul3A_273 = arith.mulf %mul3A_272, %sub3A_269 : vector<512x512xf32>
      %add3A_274 = arith.addf %mul3A_271, %mul3A_273 : vector<512x512xf32>
      %mul3A_275 = vector.broadcast %sub3A_206 : vector<1x512xf32> to vector<512x512xf32>
      %mul3A_276 = arith.mulf %mul3A_275, %sub3A_266 : vector<512x512xf32>
      %add3A_277 = arith.addf %add3A_274, %mul3A_276 : vector<512x512xf32>
      %mul3A_278 = vector.broadcast %sub3A_208 : vector<1x512xf32> to vector<512x512xf32>
      %mul3A_279 = arith.mulf %mul3A_278, %sub3A_263 : vector<512x512xf32>
      %mul3A_280 = vector.broadcast %sub3A_210 : vector<1x512xf32> to vector<512x512xf32>
      %mul3A_281 = arith.mulf %mul3A_280, %sub3A_269 : vector<512x512xf32>
      %add3A_282 = arith.addf %mul3A_279, %mul3A_281 : vector<512x512xf32>
      %mul3A_283 = vector.broadcast %sub3A_209 : vector<1x512xf32> to vector<512x512xf32>
      %mul3A_284 = arith.mulf %mul3A_283, %sub3A_266 : vector<512x512xf32>
      %add3A_285 = arith.addf %add3A_282, %mul3A_284 : vector<512x512xf32>
      %mul3A_286 = arith.mulf %add3A_227, %add3A_260 : vector<512x512xf32>
      %mul3A_287 = arith.mulf %add3A_252, %add3A_235 : vector<512x512xf32>
      %sub3A_288 = arith.subf %mul3A_286, %mul3A_287 : vector<512x512xf32>
      %mul3A_289 = arith.mulf %add3A_277, %add3A_235 : vector<512x512xf32>
      %mul3A_290 = arith.mulf %add3A_227, %add3A_285 : vector<512x512xf32>
      %sub3A_291 = arith.subf %mul3A_289, %mul3A_290 : vector<512x512xf32>
      %mul3A_292 = arith.mulf %add3A_252, %add3A_285 : vector<512x512xf32>
      %mul3A_293 = arith.mulf %add3A_277, %add3A_260 : vector<512x512xf32>
      %sub3A_294 = arith.subf %mul3A_292, %mul3A_293 : vector<512x512xf32>
      %sub3A_295 = arith.subf %add3A_227, %add3A_252 : vector<512x512xf32>
      %abs3A = math.absf %sub3A_295 : vector<512x512xf32>
      %lt3A = arith.constant 9.99999996E-13 : f32
      %lt3A_296 = vector.broadcast %lt3A : f32 to vector<512x512xf32>
      %lt3A_297 = arith.cmpf olt, %abs3A, %lt3A_296 : vector<512x512xf32>
      %lt3A_298 = arith.constant 0.000000e+00 : f32
      %lt3A_299 = vector.broadcast %lt3A_298 : f32 to vector<512x512xf32>
      %lt3A_300 = arith.cmpf olt, %sub3A_295, %lt3A_299 : vector<512x512xf32>
      %jit3A = arith.constant -9.99999996E-13 : f32
      %jit3A_301 = arith.constant 9.99999996E-13 : f32
      %broadcast_in_dim3A_302 = vector.broadcast %jit3A : f32 to vector<512x512xf32>
      %broadcast_in_dim3A_303 = vector.broadcast %jit3A_301 : f32 to vector<512x512xf32>
      %select_n3A = arith.select %lt3A_300, %broadcast_in_dim3A_302, %broadcast_in_dim3A_303 : vector<512x512xi1>, vector<512x512xf32>
      %select_n3A_304 = arith.select %lt3A_297, %select_n3A, %sub3A_295 : vector<512x512xi1>, vector<512x512xf32>
      %div3A_305 = arith.divf %add3A_227, %select_n3A_304 : vector<512x512xf32>
      %sub3A_306 = arith.subf %add3A_235, %add3A_285 : vector<512x512xf32>
      %abs3A_307 = math.absf %sub3A_306 : vector<512x512xf32>
      %lt3A_308 = arith.constant 9.99999996E-13 : f32
      %lt3A_309 = vector.broadcast %lt3A_308 : f32 to vector<512x512xf32>
      %lt3A_310 = arith.cmpf olt, %abs3A_307, %lt3A_309 : vector<512x512xf32>
      %lt3A_311 = arith.constant 0.000000e+00 : f32
      %lt3A_312 = vector.broadcast %lt3A_311 : f32 to vector<512x512xf32>
      %lt3A_313 = arith.cmpf olt, %sub3A_306, %lt3A_312 : vector<512x512xf32>
      %jit3A_314 = arith.constant -9.99999996E-13 : f32
      %jit3A_315 = arith.constant 9.99999996E-13 : f32
      %broadcast_in_dim3A_316 = vector.broadcast %jit3A_314 : f32 to vector<512x512xf32>
      %broadcast_in_dim3A_317 = vector.broadcast %jit3A_315 : f32 to vector<512x512xf32>
      %select_n3A_318 = arith.select %lt3A_313, %broadcast_in_dim3A_316, %broadcast_in_dim3A_317 : vector<512x512xi1>, vector<512x512xf32>
      %select_n3A_319 = arith.select %lt3A_310, %select_n3A_318, %sub3A_306 : vector<512x512xi1>, vector<512x512xf32>
      %div3A_320 = arith.divf %add3A_235, %select_n3A_319 : vector<512x512xf32>
      %sub3A_321 = arith.subf %add3A_260, %add3A_252 : vector<512x512xf32>
      %sub3A_322 = arith.subf %add3A_260, %add3A_252 : vector<512x512xf32>
      %sub3A_323 = arith.subf %add3A_277, %add3A_285 : vector<512x512xf32>
      %add3A_324 = arith.addf %sub3A_322, %sub3A_323 : vector<512x512xf32>
      %abs3A_325 = math.absf %add3A_324 : vector<512x512xf32>
      %lt3A_326 = arith.constant 9.99999996E-13 : f32
      %lt3A_327 = vector.broadcast %lt3A_326 : f32 to vector<512x512xf32>
      %lt3A_328 = arith.cmpf olt, %abs3A_325, %lt3A_327 : vector<512x512xf32>
      %lt3A_329 = arith.constant 0.000000e+00 : f32
      %lt3A_330 = vector.broadcast %lt3A_329 : f32 to vector<512x512xf32>
      %lt3A_331 = arith.cmpf olt, %add3A_324, %lt3A_330 : vector<512x512xf32>
      %jit3A_332 = arith.constant -9.99999996E-13 : f32
      %jit3A_333 = arith.constant 9.99999996E-13 : f32
      %broadcast_in_dim3A_334 = vector.broadcast %jit3A_332 : f32 to vector<512x512xf32>
      %broadcast_in_dim3A_335 = vector.broadcast %jit3A_333 : f32 to vector<512x512xf32>
      %select_n3A_336 = arith.select %lt3A_331, %broadcast_in_dim3A_334, %broadcast_in_dim3A_335 : vector<512x512xi1>, vector<512x512xf32>
      %select_n3A_337 = arith.select %lt3A_328, %select_n3A_336, %add3A_324 : vector<512x512xi1>, vector<512x512xf32>
      %div3A_338 = arith.divf %sub3A_321, %select_n3A_337 : vector<512x512xf32>
      %broadcast_in_dim3A_339 = arith.constant 1.000000e+00 : f32
      %broadcast_in_dim3A_340 = vector.broadcast %broadcast_in_dim3A_339 : f32 to vector<512x512xf32>
      %add3A_341 = arith.addf %sub3A_294, %sub3A_291 : vector<512x512xf32>
      %add3A_342 = arith.addf %add3A_341, %sub3A_288 : vector<512x512xf32>
      %abs3A_343 = math.absf %add3A_342 : vector<512x512xf32>
      %lt3A_344 = arith.constant 9.99999996E-13 : f32
      %lt3A_345 = vector.broadcast %lt3A_344 : f32 to vector<512x512xf32>
      %lt3A_346 = arith.cmpf olt, %abs3A_343, %lt3A_345 : vector<512x512xf32>
      %lt3A_347 = arith.constant 0.000000e+00 : f32
      %lt3A_348 = vector.broadcast %lt3A_347 : f32 to vector<512x512xf32>
      %lt3A_349 = arith.cmpf olt, %add3A_342, %lt3A_348 : vector<512x512xf32>
      %jit3A_350 = arith.constant -9.99999996E-13 : f32
      %jit3A_351 = arith.constant 9.99999996E-13 : f32
      %broadcast_in_dim3A_352 = vector.broadcast %jit3A_350 : f32 to vector<512x512xf32>
      %broadcast_in_dim3A_353 = vector.broadcast %jit3A_351 : f32 to vector<512x512xf32>
      %select_n3A_354 = arith.select %lt3A_349, %broadcast_in_dim3A_352, %broadcast_in_dim3A_353 : vector<512x512xi1>, vector<512x512xf32>
      %select_n3A_355 = arith.select %lt3A_346, %select_n3A_354, %add3A_342 : vector<512x512xi1>, vector<512x512xf32>
      %div3A_356 = arith.divf %broadcast_in_dim3A_340, %select_n3A_355 : vector<512x512xf32>
      %mul3A_357 = arith.mulf %sub3A_291, %div3A_356 : vector<512x512xf32>
      %mul3A_358 = arith.mulf %sub3A_288, %div3A_356 : vector<512x512xf32>
      %broadcast_in_dim3A_359 = arith.constant 0.000000e+00 : f32
      %broadcast_in_dim3A_360 = vector.broadcast %broadcast_in_dim3A_359 : f32 to vector<512x512xf32>
      %broadcast_in_dim3A_361 = arith.constant 1.000000e+00 : f32
      %broadcast_in_dim3A_362 = vector.broadcast %broadcast_in_dim3A_361 : f32 to vector<512x512xf32>
      %le3A = arith.constant 0.000000e+00 : f32
      %le3A_363 = vector.broadcast %le3A : f32 to vector<512x512xf32>
      %le3A_364 = arith.cmpf ole, %add3A_227, %le3A_363 : vector<512x512xf32>
      %le3A_365 = arith.constant 0.000000e+00 : f32
      %le3A_366 = vector.broadcast %le3A_365 : f32 to vector<512x512xf32>
      %le3A_367 = arith.cmpf ole, %add3A_235, %le3A_366 : vector<512x512xf32>
      %and3A = arith.andi %le3A_364, %le3A_367 : vector<512x512xi1>
      %ge3A = arith.constant 0.000000e+00 : f32
      %ge3A_368 = vector.broadcast %ge3A : f32 to vector<512x512xf32>
      %ge3A_369 = arith.cmpf oge, %add3A_252, %ge3A_368 : vector<512x512xf32>
      %le3A_370 = arith.cmpf ole, %add3A_260, %add3A_252 : vector<512x512xf32>
      %and3A_371 = arith.andi %ge3A_369, %le3A_370 : vector<512x512xi1>
      %le3A_372 = arith.constant 0.000000e+00 : f32
      %le3A_373 = vector.broadcast %le3A_372 : f32 to vector<512x512xf32>
      %le3A_374 = arith.cmpf ole, %sub3A_288, %le3A_373 : vector<512x512xf32>
      %ge3A_375 = arith.constant 0.000000e+00 : f32
      %ge3A_376 = vector.broadcast %ge3A_375 : f32 to vector<512x512xf32>
      %ge3A_377 = arith.cmpf oge, %add3A_227, %ge3A_376 : vector<512x512xf32>
      %and3A_378 = arith.andi %le3A_374, %ge3A_377 : vector<512x512xi1>
      %le3A_379 = arith.constant 0.000000e+00 : f32
      %le3A_380 = vector.broadcast %le3A_379 : f32 to vector<512x512xf32>
      %le3A_381 = arith.cmpf ole, %add3A_252, %le3A_380 : vector<512x512xf32>
      %and3A_382 = arith.andi %and3A_378, %le3A_381 : vector<512x512xi1>
      %ge3A_383 = arith.constant 0.000000e+00 : f32
      %ge3A_384 = vector.broadcast %ge3A_383 : f32 to vector<512x512xf32>
      %ge3A_385 = arith.cmpf oge, %add3A_285, %ge3A_384 : vector<512x512xf32>
      %le3A_386 = arith.cmpf ole, %add3A_277, %add3A_285 : vector<512x512xf32>
      %and3A_387 = arith.andi %ge3A_385, %le3A_386 : vector<512x512xi1>
      %le3A_388 = arith.constant 0.000000e+00 : f32
      %le3A_389 = vector.broadcast %le3A_388 : f32 to vector<512x512xf32>
      %le3A_390 = arith.cmpf ole, %sub3A_291, %le3A_389 : vector<512x512xf32>
      %ge3A_391 = arith.constant 0.000000e+00 : f32
      %ge3A_392 = vector.broadcast %ge3A_391 : f32 to vector<512x512xf32>
      %ge3A_393 = arith.cmpf oge, %add3A_235, %ge3A_392 : vector<512x512xf32>
      %and3A_394 = arith.andi %le3A_390, %ge3A_393 : vector<512x512xi1>
      %le3A_395 = arith.constant 0.000000e+00 : f32
      %le3A_396 = vector.broadcast %le3A_395 : f32 to vector<512x512xf32>
      %le3A_397 = arith.cmpf ole, %add3A_285, %le3A_396 : vector<512x512xf32>
      %and3A_398 = arith.andi %and3A_394, %le3A_397 : vector<512x512xi1>
      %le3A_399 = arith.constant 0.000000e+00 : f32
      %le3A_400 = vector.broadcast %le3A_399 : f32 to vector<512x512xf32>
      %le3A_401 = arith.cmpf ole, %sub3A_294, %le3A_400 : vector<512x512xf32>
      %sub3A_402 = arith.subf %add3A_260, %add3A_252 : vector<512x512xf32>
      %ge3A_403 = arith.constant 0.000000e+00 : f32
      %ge3A_404 = vector.broadcast %ge3A_403 : f32 to vector<512x512xf32>
      %ge3A_405 = arith.cmpf oge, %sub3A_402, %ge3A_404 : vector<512x512xf32>
      %and3A_406 = arith.andi %le3A_401, %ge3A_405 : vector<512x512xi1>
      %sub3A_407 = arith.subf %add3A_277, %add3A_285 : vector<512x512xf32>
      %ge3A_408 = arith.constant 0.000000e+00 : f32
      %ge3A_409 = vector.broadcast %ge3A_408 : f32 to vector<512x512xf32>
      %ge3A_410 = arith.cmpf oge, %sub3A_407, %ge3A_409 : vector<512x512xf32>
      %and3A_411 = arith.andi %and3A_406, %ge3A_410 : vector<512x512xi1>
      %sub3A_412 = arith.subf %broadcast_in_dim3A_362, %div3A_305 : vector<512x512xf32>
      %sub3A_413 = arith.subf %broadcast_in_dim3A_362, %div3A_320 : vector<512x512xf32>
      %sub3A_414 = arith.subf %broadcast_in_dim3A_362, %mul3A_357 : vector<512x512xf32>
      %sub3A_415 = arith.subf %sub3A_414, %mul3A_358 : vector<512x512xf32>
      %select_n3A_416 = arith.select %and3A_411, %broadcast_in_dim3A_360, %sub3A_415 : vector<512x512xi1>, vector<512x512xf32>
      %select_n3A_417 = arith.select %and3A_398, %sub3A_413, %select_n3A_416 : vector<512x512xi1>, vector<512x512xf32>
      %select_n3A_418 = arith.select %and3A_387, %broadcast_in_dim3A_360, %select_n3A_417 : vector<512x512xi1>, vector<512x512xf32>
      %select_n3A_419 = arith.select %and3A_382, %sub3A_412, %select_n3A_418 : vector<512x512xi1>, vector<512x512xf32>
      %select_n3A_420 = arith.select %and3A_371, %broadcast_in_dim3A_360, %select_n3A_419 : vector<512x512xi1>, vector<512x512xf32>
      %select_n3A_421 = arith.select %and3A, %broadcast_in_dim3A_362, %select_n3A_420 : vector<512x512xi1>, vector<512x512xf32>
      %sub3A_422 = arith.subf %broadcast_in_dim3A_362, %div3A_338 : vector<512x512xf32>
      %select_n3A_423 = arith.select %and3A_411, %sub3A_422, %mul3A_357 : vector<512x512xi1>, vector<512x512xf32>
      %select_n3A_424 = arith.select %and3A_398, %broadcast_in_dim3A_360, %select_n3A_423 : vector<512x512xi1>, vector<512x512xf32>
      %select_n3A_425 = arith.select %and3A_387, %broadcast_in_dim3A_360, %select_n3A_424 : vector<512x512xi1>, vector<512x512xf32>
      %select_n3A_426 = arith.select %and3A_382, %div3A_305, %select_n3A_425 : vector<512x512xi1>, vector<512x512xf32>
      %select_n3A_427 = arith.select %and3A_371, %broadcast_in_dim3A_362, %select_n3A_426 : vector<512x512xi1>, vector<512x512xf32>
      %select_n3A_428 = arith.select %and3A, %broadcast_in_dim3A_360, %select_n3A_427 : vector<512x512xi1>, vector<512x512xf32>
      %select_n3A_429 = arith.select %and3A_411, %div3A_338, %mul3A_358 : vector<512x512xi1>, vector<512x512xf32>
      %select_n3A_430 = arith.select %and3A_398, %div3A_320, %select_n3A_429 : vector<512x512xi1>, vector<512x512xf32>
      %select_n3A_431 = arith.select %and3A_387, %broadcast_in_dim3A_362, %select_n3A_430 : vector<512x512xi1>, vector<512x512xf32>
      %select_n3A_432 = arith.select %and3A_382, %broadcast_in_dim3A_360, %select_n3A_431 : vector<512x512xi1>, vector<512x512xf32>
      %select_n3A_433 = arith.select %and3A_371, %broadcast_in_dim3A_360, %select_n3A_432 : vector<512x512xi1>, vector<512x512xf32>
      %select_n3A_434 = arith.select %and3A, %broadcast_in_dim3A_360, %select_n3A_433 : vector<512x512xi1>, vector<512x512xf32>
      %mul3A_435 = vector.broadcast %get3A_149 : vector<1x512xf32> to vector<512x512xf32>
      %mul3A_436 = arith.mulf %select_n3A_421, %mul3A_435 : vector<512x512xf32>
      %mul3A_437 = vector.broadcast %get3A_164 : vector<1x512xf32> to vector<512x512xf32>
      %mul3A_438 = arith.mulf %select_n3A_428, %mul3A_437 : vector<512x512xf32>
      %add3A_439 = arith.addf %mul3A_436, %mul3A_438 : vector<512x512xf32>
      %mul3A_440 = vector.broadcast %get3A_179 : vector<1x512xf32> to vector<512x512xf32>
      %mul3A_441 = arith.mulf %select_n3A_434, %mul3A_440 : vector<512x512xf32>
      %add3A_442 = arith.addf %add3A_439, %mul3A_441 : vector<512x512xf32>
      %mul3A_443 = vector.broadcast %get3A_154 : vector<1x512xf32> to vector<512x512xf32>
      %mul3A_444 = arith.mulf %select_n3A_421, %mul3A_443 : vector<512x512xf32>
      %mul3A_445 = vector.broadcast %get3A_169 : vector<1x512xf32> to vector<512x512xf32>
      %mul3A_446 = arith.mulf %select_n3A_428, %mul3A_445 : vector<512x512xf32>
      %add3A_447 = arith.addf %mul3A_444, %mul3A_446 : vector<512x512xf32>
      %mul3A_448 = vector.broadcast %get3A_184 : vector<1x512xf32> to vector<512x512xf32>
      %mul3A_449 = arith.mulf %select_n3A_434, %mul3A_448 : vector<512x512xf32>
      %add3A_450 = arith.addf %add3A_447, %mul3A_449 : vector<512x512xf32>
      %mul3A_451 = vector.broadcast %get3A_159 : vector<1x512xf32> to vector<512x512xf32>
      %mul3A_452 = arith.mulf %select_n3A_421, %mul3A_451 : vector<512x512xf32>
      %mul3A_453 = vector.broadcast %get3A_174 : vector<1x512xf32> to vector<512x512xf32>
      %mul3A_454 = arith.mulf %select_n3A_428, %mul3A_453 : vector<512x512xf32>
      %add3A_455 = arith.addf %mul3A_452, %mul3A_454 : vector<512x512xf32>
      %mul3A_456 = vector.broadcast %get3A_189 : vector<1x512xf32> to vector<512x512xf32>
      %mul3A_457 = arith.mulf %select_n3A_434, %mul3A_456 : vector<512x512xf32>
      %add3A_458 = arith.addf %add3A_455, %mul3A_457 : vector<512x512xf32>
      %sub3A_459 = vector.broadcast %get3A_3 : vector<512x1xf32> to vector<512x512xf32>
      %sub3A_460 = arith.subf %add3A_442, %sub3A_459 : vector<512x512xf32>
      %sub3A_461 = vector.broadcast %get3A_8 : vector<512x1xf32> to vector<512x512xf32>
      %sub3A_462 = arith.subf %add3A_450, %sub3A_461 : vector<512x512xf32>
      %sub3A_463 = vector.broadcast %get3A_13 : vector<512x1xf32> to vector<512x512xf32>
      %sub3A_464 = arith.subf %add3A_458, %sub3A_463 : vector<512x512xf32>
      %mul3A_465 = arith.mulf %sub3A_460, %sub3A_460 : vector<512x512xf32>
      %mul3A_466 = arith.mulf %sub3A_464, %sub3A_464 : vector<512x512xf32>
      %add3A_467 = arith.addf %mul3A_465, %mul3A_466 : vector<512x512xf32>
      %mul3A_468 = arith.mulf %sub3A_462, %sub3A_462 : vector<512x512xf32>
      %add3A_469 = arith.addf %add3A_467, %mul3A_468 : vector<512x512xf32>
      %mul3A_470 = arith.mulf %sub3A_206, %sub3A_210 : vector<1x512xf32>
      %mul3A_471 = arith.mulf %sub3A_207, %sub3A_209 : vector<1x512xf32>
      %sub3A_472 = arith.subf %mul3A_470, %mul3A_471 : vector<1x512xf32>
      %mul3A_473 = arith.mulf %sub3A_207, %sub3A_208 : vector<1x512xf32>
      %mul3A_474 = arith.mulf %sub3A_205, %sub3A_210 : vector<1x512xf32>
      %sub3A_475 = arith.subf %mul3A_473, %mul3A_474 : vector<1x512xf32>
      %mul3A_476 = arith.mulf %sub3A_205, %sub3A_209 : vector<1x512xf32>
      %mul3A_477 = arith.mulf %sub3A_206, %sub3A_208 : vector<1x512xf32>
      %sub3A_478 = arith.subf %mul3A_476, %mul3A_477 : vector<1x512xf32>
      %reduce_min3A = arith.constant dense<0x7F800000> : vector<512xf32>
      %reduce_min3A_479 = vector.multi_reduction <minimumf>, %add3A_469, %reduce_min3A [1] : vector<512x512xf32> to vector<512xf32>
      %broadcast_in_dim3A_480 = vector.shape_cast %reduce_min3A_479 : vector<512xf32> to vector<512x1xf32>
      %iota3A = tpu.iota {dimensions = array<i32: 1>} : vector<512x512xi32>
      %eq3A = vector.broadcast %broadcast_in_dim3A_480 : vector<512x1xf32> to vector<512x512xf32>
      %eq3A_481 = arith.cmpf oeq, %add3A_469, %eq3A : vector<512x512xf32>
      %jit3A_482 = arith.constant 512 : i32
      %broadcast_in_dim3A_483 = vector.broadcast %jit3A_482 : i32 to vector<512x512xi32>
      %select_n3A_484 = arith.select %eq3A_481, %iota3A, %broadcast_in_dim3A_483 : vector<512x512xi1>, vector<512x512xi32>
      %reduce_min3A_485 = arith.constant dense<2147483647> : vector<512xi32>
      %reduce_min3A_486 = vector.multi_reduction <minsi>, %select_n3A_484, %reduce_min3A_485 [1] : vector<512x512xi32> to vector<512xi32>
      %broadcast_in_dim3A_487 = vector.shape_cast %reduce_min3A_486 : vector<512xi32> to vector<512x1xi32>
      %eq3A_488 = vector.broadcast %broadcast_in_dim3A_487 : vector<512x1xi32> to vector<512x512xi32>
      %eq3A_489 = arith.cmpi eq, %iota3A, %eq3A_488 : vector<512x512xi32>
      %jit3A_490 = arith.constant 0.000000e+00 : f32
      %broadcast_in_dim3A_491 = vector.broadcast %jit3A_490 : f32 to vector<512x512xf32>
      %select_n3A_492 = arith.select %eq3A_489, %select_n3A_421, %broadcast_in_dim3A_491 : vector<512x512xi1>, vector<512x512xf32>
      %reduce_sum3A = arith.constant dense<0.000000e+00> : vector<512xf32>
      %reduce_sum3A_493 = vector.multi_reduction <add>, %select_n3A_492, %reduce_sum3A [1] : vector<512x512xf32> to vector<512xf32>
      %broadcast_in_dim3A_494 = vector.shape_cast %reduce_sum3A_493 : vector<512xf32> to vector<512x1xf32>
      %jit3A_495 = arith.constant 0.000000e+00 : f32
      %broadcast_in_dim3A_496 = vector.broadcast %jit3A_495 : f32 to vector<512x512xf32>
      %select_n3A_497 = arith.select %eq3A_489, %select_n3A_428, %broadcast_in_dim3A_496 : vector<512x512xi1>, vector<512x512xf32>
      %reduce_sum3A_498 = arith.constant dense<0.000000e+00> : vector<512xf32>
      %reduce_sum3A_499 = vector.multi_reduction <add>, %select_n3A_497, %reduce_sum3A_498 [1] : vector<512x512xf32> to vector<512xf32>
      %broadcast_in_dim3A_500 = vector.shape_cast %reduce_sum3A_499 : vector<512xf32> to vector<512x1xf32>
      %jit3A_501 = arith.constant 0.000000e+00 : f32
      %broadcast_in_dim3A_502 = vector.broadcast %jit3A_501 : f32 to vector<512x512xf32>
      %select_n3A_503 = arith.select %eq3A_489, %select_n3A_434, %broadcast_in_dim3A_502 : vector<512x512xi1>, vector<512x512xf32>
      %reduce_sum3A_504 = arith.constant dense<0.000000e+00> : vector<512xf32>
      %reduce_sum3A_505 = vector.multi_reduction <add>, %select_n3A_503, %reduce_sum3A_504 [1] : vector<512x512xf32> to vector<512xf32>
      %broadcast_in_dim3A_506 = vector.shape_cast %reduce_sum3A_505 : vector<512xf32> to vector<512x1xf32>
      %jit3A_507 = arith.constant 0.000000e+00 : f32
      %broadcast_in_dim3A_508 = vector.broadcast %jit3A_507 : f32 to vector<512x512xf32>
      %select_n3A_509 = arith.select %eq3A_489, %add3A_442, %broadcast_in_dim3A_508 : vector<512x512xi1>, vector<512x512xf32>
      %reduce_sum3A_510 = arith.constant dense<0.000000e+00> : vector<512xf32>
      %reduce_sum3A_511 = vector.multi_reduction <add>, %select_n3A_509, %reduce_sum3A_510 [1] : vector<512x512xf32> to vector<512xf32>
      %broadcast_in_dim3A_512 = vector.shape_cast %reduce_sum3A_511 : vector<512xf32> to vector<512x1xf32>
      %jit3A_513 = arith.constant 0.000000e+00 : f32
      %broadcast_in_dim3A_514 = vector.broadcast %jit3A_513 : f32 to vector<512x512xf32>
      %select_n3A_515 = arith.select %eq3A_489, %add3A_450, %broadcast_in_dim3A_514 : vector<512x512xi1>, vector<512x512xf32>
      %reduce_sum3A_516 = arith.constant dense<0.000000e+00> : vector<512xf32>
      %reduce_sum3A_517 = vector.multi_reduction <add>, %select_n3A_515, %reduce_sum3A_516 [1] : vector<512x512xf32> to vector<512xf32>
      %broadcast_in_dim3A_518 = vector.shape_cast %reduce_sum3A_517 : vector<512xf32> to vector<512x1xf32>
      %jit3A_519 = arith.constant 0.000000e+00 : f32
      %broadcast_in_dim3A_520 = vector.broadcast %jit3A_519 : f32 to vector<512x512xf32>
      %select_n3A_521 = arith.select %eq3A_489, %add3A_458, %broadcast_in_dim3A_520 : vector<512x512xi1>, vector<512x512xf32>
      %reduce_sum3A_522 = arith.constant dense<0.000000e+00> : vector<512xf32>
      %reduce_sum3A_523 = vector.multi_reduction <add>, %select_n3A_521, %reduce_sum3A_522 [1] : vector<512x512xf32> to vector<512xf32>
      %broadcast_in_dim3A_524 = vector.shape_cast %reduce_sum3A_523 : vector<512xf32> to vector<512x1xf32>
      %jit3A_525 = arith.constant 0.000000e+00 : f32
      %broadcast_in_dim3A_526 = vector.shape_cast %sub3A_472 : vector<1x512xf32> to vector<1x512xf32>
      %broadcast_in_dim3A_527 = vector.broadcast %broadcast_in_dim3A_526 : vector<1x512xf32> to vector<512x512xf32>
      %broadcast_in_dim3A_528 = vector.broadcast %jit3A_525 : f32 to vector<512x512xf32>
      %select_n3A_529 = arith.select %eq3A_489, %broadcast_in_dim3A_527, %broadcast_in_dim3A_528 : vector<512x512xi1>, vector<512x512xf32>
      %reduce_sum3A_530 = arith.constant dense<0.000000e+00> : vector<512xf32>
      %reduce_sum3A_531 = vector.multi_reduction <add>, %select_n3A_529, %reduce_sum3A_530 [1] : vector<512x512xf32> to vector<512xf32>
      %broadcast_in_dim3A_532 = vector.shape_cast %reduce_sum3A_531 : vector<512xf32> to vector<512x1xf32>
      %jit3A_533 = arith.constant 0.000000e+00 : f32
      %broadcast_in_dim3A_534 = vector.shape_cast %sub3A_475 : vector<1x512xf32> to vector<1x512xf32>
      %broadcast_in_dim3A_535 = vector.broadcast %broadcast_in_dim3A_534 : vector<1x512xf32> to vector<512x512xf32>
      %broadcast_in_dim3A_536 = vector.broadcast %jit3A_533 : f32 to vector<512x512xf32>
      %select_n3A_537 = arith.select %eq3A_489, %broadcast_in_dim3A_535, %broadcast_in_dim3A_536 : vector<512x512xi1>, vector<512x512xf32>
      %reduce_sum3A_538 = arith.constant dense<0.000000e+00> : vector<512xf32>
      %reduce_sum3A_539 = vector.multi_reduction <add>, %select_n3A_537, %reduce_sum3A_538 [1] : vector<512x512xf32> to vector<512xf32>
      %broadcast_in_dim3A_540 = vector.shape_cast %reduce_sum3A_539 : vector<512xf32> to vector<512x1xf32>
      %jit3A_541 = arith.constant 0.000000e+00 : f32
      %broadcast_in_dim3A_542 = vector.shape_cast %sub3A_478 : vector<1x512xf32> to vector<1x512xf32>
      %broadcast_in_dim3A_543 = vector.broadcast %broadcast_in_dim3A_542 : vector<1x512xf32> to vector<512x512xf32>
      %broadcast_in_dim3A_544 = vector.broadcast %jit3A_541 : f32 to vector<512x512xf32>
      %select_n3A_545 = arith.select %eq3A_489, %broadcast_in_dim3A_543, %broadcast_in_dim3A_544 : vector<512x512xi1>, vector<512x512xf32>
      %reduce_sum3A_546 = arith.constant dense<0.000000e+00> : vector<512xf32>
      %reduce_sum3A_547 = vector.multi_reduction <add>, %select_n3A_545, %reduce_sum3A_546 [1] : vector<512x512xf32> to vector<512xf32>
      %broadcast_in_dim3A_548 = vector.shape_cast %reduce_sum3A_547 : vector<512xf32> to vector<512x1xf32>
      %jit3A_549 = arith.constant 0.000000e+00 : f32
      %broadcast_in_dim3A_550 = vector.shape_cast %get3A_194 : vector<1x512xf32> to vector<1x512xf32>
      %broadcast_in_dim3A_551 = vector.broadcast %broadcast_in_dim3A_550 : vector<1x512xf32> to vector<512x512xf32>
      %broadcast_in_dim3A_552 = vector.broadcast %jit3A_549 : f32 to vector<512x512xf32>
      %select_n3A_553 = arith.select %eq3A_489, %broadcast_in_dim3A_551, %broadcast_in_dim3A_552 : vector<512x512xi1>, vector<512x512xf32>
      %reduce_sum3A_554 = arith.constant dense<0.000000e+00> : vector<512xf32>
      %reduce_sum3A_555 = vector.multi_reduction <add>, %select_n3A_553, %reduce_sum3A_554 [1] : vector<512x512xf32> to vector<512xf32>
      %broadcast_in_dim3A_556 = vector.shape_cast %reduce_sum3A_555 : vector<512xf32> to vector<512x1xf32>
      %jit3A_557 = arith.constant 0.000000e+00 : f32
      %broadcast_in_dim3A_558 = vector.shape_cast %get3A_199 : vector<1x512xf32> to vector<1x512xf32>
      %broadcast_in_dim3A_559 = vector.broadcast %broadcast_in_dim3A_558 : vector<1x512xf32> to vector<512x512xf32>
      %broadcast_in_dim3A_560 = vector.broadcast %jit3A_557 : f32 to vector<512x512xf32>
      %select_n3A_561 = arith.select %eq3A_489, %broadcast_in_dim3A_559, %broadcast_in_dim3A_560 : vector<512x512xi1>, vector<512x512xf32>
      %reduce_sum3A_562 = arith.constant dense<0.000000e+00> : vector<512xf32>
      %reduce_sum3A_563 = vector.multi_reduction <add>, %select_n3A_561, %reduce_sum3A_562 [1] : vector<512x512xf32> to vector<512xf32>
      %broadcast_in_dim3A_564 = vector.shape_cast %reduce_sum3A_563 : vector<512xf32> to vector<512x1xf32>
      %jit3A_565 = arith.constant 0.000000e+00 : f32
      %broadcast_in_dim3A_566 = vector.shape_cast %get3A_204 : vector<1x512xf32> to vector<1x512xf32>
      %broadcast_in_dim3A_567 = vector.broadcast %broadcast_in_dim3A_566 : vector<1x512xf32> to vector<512x512xf32>
      %broadcast_in_dim3A_568 = vector.broadcast %jit3A_565 : f32 to vector<512x512xf32>
      %select_n3A_569 = arith.select %eq3A_489, %broadcast_in_dim3A_567, %broadcast_in_dim3A_568 : vector<512x512xi1>, vector<512x512xf32>
      %reduce_sum3A_570 = arith.constant dense<0.000000e+00> : vector<512xf32>
      %reduce_sum3A_571 = vector.multi_reduction <add>, %select_n3A_569, %reduce_sum3A_570 [1] : vector<512x512xf32> to vector<512xf32>
      %broadcast_in_dim3A_572 = vector.shape_cast %reduce_sum3A_571 : vector<512xf32> to vector<512x1xf32>
      %lt3A_573 = arith.cmpf olt, %broadcast_in_dim3A_480, %scan3A_130 : vector<512x1xf32>
      %select_n3A_574 = arith.select %lt3A_573, %broadcast_in_dim3A_480, %scan3A_130 : vector<512x1xi1>, vector<512x1xf32>
      %select_n3A_575 = arith.select %lt3A_573, %broadcast_in_dim3A_494, %scan3A_131 : vector<512x1xi1>, vector<512x1xf32>
      %select_n3A_576 = arith.select %lt3A_573, %broadcast_in_dim3A_500, %scan3A_132 : vector<512x1xi1>, vector<512x1xf32>
      %select_n3A_577 = arith.select %lt3A_573, %broadcast_in_dim3A_506, %scan3A_133 : vector<512x1xi1>, vector<512x1xf32>
      %select_n3A_578 = arith.select %lt3A_573, %broadcast_in_dim3A_512, %scan3A_134 : vector<512x1xi1>, vector<512x1xf32>
      %select_n3A_579 = arith.select %lt3A_573, %broadcast_in_dim3A_518, %scan3A_135 : vector<512x1xi1>, vector<512x1xf32>
      %select_n3A_580 = arith.select %lt3A_573, %broadcast_in_dim3A_524, %scan3A_136 : vector<512x1xi1>, vector<512x1xf32>
      %select_n3A_581 = arith.select %lt3A_573, %broadcast_in_dim3A_532, %scan3A_137 : vector<512x1xi1>, vector<512x1xf32>
      %select_n3A_582 = arith.select %lt3A_573, %broadcast_in_dim3A_540, %scan3A_138 : vector<512x1xi1>, vector<512x1xf32>
      %select_n3A_583 = arith.select %lt3A_573, %broadcast_in_dim3A_548, %scan3A_139 : vector<512x1xi1>, vector<512x1xf32>
      %select_n3A_584 = arith.select %lt3A_573, %broadcast_in_dim3A_556, %scan3A_140 : vector<512x1xi1>, vector<512x1xf32>
      %select_n3A_585 = arith.select %lt3A_573, %broadcast_in_dim3A_564, %scan3A_141 : vector<512x1xi1>, vector<512x1xf32>
      %select_n3A_586 = arith.select %lt3A_573, %broadcast_in_dim3A_572, %scan3A_142 : vector<512x1xi1>, vector<512x1xf32>
      scf.yield %select_n3A_574, %select_n3A_575, %select_n3A_576, %select_n3A_577, %select_n3A_578, %select_n3A_579, %select_n3A_580, %select_n3A_581, %select_n3A_582, %select_n3A_583, %select_n3A_584, %select_n3A_585, %select_n3A_586 : vector<512x1xf32>, vector<512x1xf32>, vector<512x1xf32>, vector<512x1xf32>, vector<512x1xf32>, vector<512x1xf32>, vector<512x1xf32>, vector<512x1xf32>, vector<512x1xf32>, vector<512x1xf32>, vector<512x1xf32>, vector<512x1xf32>, vector<512x1xf32>
    }
    %scan3A_21 = arith.constant 27 : i32
    %sub3A = arith.subf %get3A_3, %scan3A_20#4 : vector<512x1xf32>
    %mul3A = arith.mulf %sub3A, %scan3A_20#7 : vector<512x1xf32>
    %sub3A_22 = arith.subf %get3A_13, %scan3A_20#6 : vector<512x1xf32>
    %mul3A_23 = arith.mulf %sub3A_22, %scan3A_20#9 : vector<512x1xf32>
    %add3A = arith.addf %mul3A, %mul3A_23 : vector<512x1xf32>
    %sub3A_24 = arith.subf %get3A_8, %scan3A_20#5 : vector<512x1xf32>
    %mul3A_25 = arith.mulf %sub3A_24, %scan3A_20#8 : vector<512x1xf32>
    %add3A_26 = arith.addf %add3A, %mul3A_25 : vector<512x1xf32>
    %sign3A = tpu.bitcast %add3A_26 : vector<512x1xf32> -> vector<512x1xi32>
    %sign3A_27 = arith.constant -2147483648 : i32
    %sign3A_28 = vector.broadcast %sign3A_27 : i32 to vector<512x1xi32>
    %sign3A_29 = arith.andi %sign3A, %sign3A_28 : vector<512x1xi32>
    %sign3A_30 = arith.constant 1065353216 : i32
    %sign3A_31 = vector.broadcast %sign3A_30 : i32 to vector<512x1xi32>
    %sign3A_32 = arith.ori %sign3A_31, %sign3A_29 : vector<512x1xi32>
    %sign3A_33 = tpu.bitcast %sign3A_32 : vector<512x1xi32> -> vector<512x1xf32>
    %sign3A_34 = math.absf %add3A_26 : vector<512x1xf32>
    %sign3A_35 = arith.constant 0.000000e+00 : f32
    %sign3A_36 = vector.broadcast %sign3A_35 : f32 to vector<512x1xf32>
    %sign3A_37 = arith.cmpf ogt, %sign3A_34, %sign3A_36 : vector<512x1xf32>
    %sign3A_38 = arith.select %sign3A_37, %sign3A_33, %add3A_26 : vector<512x1xi1>, vector<512x1xf32>
    %max3A = arith.constant 9.99999996E-13 : f32
    %max3A_39 = vector.broadcast %max3A : f32 to vector<512x1xf32>
    %max3A_40 = arith.maximumf %scan3A_20#0, %max3A_39 : vector<512x1xf32>
    %sqrt3A = math.sqrt %max3A_40 : vector<512x1xf32>
    %mul3A_41 = arith.mulf %sqrt3A, %sign3A_38 : vector<512x1xf32>
    %sub3A_42 = arith.subf %scan3A_20#4, %get3A_3 : vector<512x1xf32>
    %sub3A_43 = arith.subf %scan3A_20#5, %get3A_8 : vector<512x1xf32>
    %sub3A_44 = arith.subf %scan3A_20#6, %get3A_13 : vector<512x1xf32>
    %mul3A_45 = arith.mulf %sub3A_42, %sub3A_42 : vector<512x1xf32>
    %mul3A_46 = arith.mulf %sub3A_44, %sub3A_44 : vector<512x1xf32>
    %add3A_47 = arith.addf %mul3A_45, %mul3A_46 : vector<512x1xf32>
    %mul3A_48 = arith.mulf %sub3A_43, %sub3A_43 : vector<512x1xf32>
    %add3A_49 = arith.addf %add3A_47, %mul3A_48 : vector<512x1xf32>
    %sqrt3A_50 = math.sqrt %add3A_49 : vector<512x1xf32>
    %max3A_51 = arith.constant 9.99999997E-7 : f32
    %max3A_52 = vector.broadcast %max3A_51 : f32 to vector<512x1xf32>
    %max3A_53 = arith.maximumf %sqrt3A_50, %max3A_52 : vector<512x1xf32>
    %swap3A = arith.constant 0 : index
    %swap3A_54 = arith.constant 0 : index
    %swap3A_55 = arith.constant 0 : index
    %swap3A_56 = vector.load %arg5[%swap3A, %swap3A_54, %swap3A_55] : memref<1x512x3xf32, #tpu.memory_space<vmem>>, vector<1x512x1xf32>
    %swap3A_57 = vector.shape_cast %swap3A_56 : vector<1x512x1xf32> to vector<512x1xf32>
    %swap3A_58 = vector.shape_cast %scan3A_20#1 : vector<512x1xf32> to vector<1x512x1xf32>
    tpu.vector_store %arg5[%swap3A, %swap3A_54, %swap3A_55], %swap3A_58 {strides = array<i32>} : memref<1x512x3xf32, #tpu.memory_space<vmem>>, vector<1x512x1xf32>,
    %swap3A_59 = arith.constant 0 : index
    %swap3A_60 = arith.constant 0 : index
    %swap3A_61 = arith.constant 1 : index
    %swap3A_62 = vector.load %arg5[%swap3A_59, %swap3A_60, %swap3A_61] : memref<1x512x3xf32, #tpu.memory_space<vmem>>, vector<1x512x1xf32>
    %swap3A_63 = vector.shape_cast %swap3A_62 : vector<1x512x1xf32> to vector<512x1xf32>
    %swap3A_64 = vector.shape_cast %scan3A_20#2 : vector<512x1xf32> to vector<1x512x1xf32>
    tpu.vector_store %arg5[%swap3A_59, %swap3A_60, %swap3A_61], %swap3A_64 {strides = array<i32>} : memref<1x512x3xf32, #tpu.memory_space<vmem>>, vector<1x512x1xf32>,
    %swap3A_65 = arith.constant 0 : index
    %swap3A_66 = arith.constant 0 : index
    %swap3A_67 = arith.constant 2 : index
    %swap3A_68 = vector.load %arg5[%swap3A_65, %swap3A_66, %swap3A_67] : memref<1x512x3xf32, #tpu.memory_space<vmem>>, vector<1x512x1xf32>
    %swap3A_69 = vector.shape_cast %swap3A_68 : vector<1x512x1xf32> to vector<512x1xf32>
    %swap3A_70 = vector.shape_cast %scan3A_20#3 : vector<512x1xf32> to vector<1x512x1xf32>
    tpu.vector_store %arg5[%swap3A_65, %swap3A_66, %swap3A_67], %swap3A_70 {strides = array<i32>} : memref<1x512x3xf32, #tpu.memory_space<vmem>>, vector<1x512x1xf32>,
    %convert_element_type3A = arith.fptosi %scan3A_20#10 : vector<512x1xf32> to vector<512x1xi32>
    %swap3A_71 = arith.constant 0 : index
    %swap3A_72 = arith.constant 0 : index
    %swap3A_73 = arith.constant 0 : index
    %swap3A_74 = vector.load %arg6[%swap3A_71, %swap3A_72, %swap3A_73] : memref<1x512x3xi32, #tpu.memory_space<vmem>>, vector<1x512x1xi32>
    %swap3A_75 = vector.shape_cast %swap3A_74 : vector<1x512x1xi32> to vector<512x1xi32>
    %swap3A_76 = vector.shape_cast %convert_element_type3A : vector<512x1xi32> to vector<1x512x1xi32>
    tpu.vector_store %arg6[%swap3A_71, %swap3A_72, %swap3A_73], %swap3A_76 {strides = array<i32>} : memref<1x512x3xi32, #tpu.memory_space<vmem>>, vector<1x512x1xi32>,
    %convert_element_type3A_77 = arith.fptosi %scan3A_20#11 : vector<512x1xf32> to vector<512x1xi32>
    %swap3A_78 = arith.constant 0 : index
    %swap3A_79 = arith.constant 0 : index
    %swap3A_80 = arith.constant 1 : index
    %swap3A_81 = vector.load %arg6[%swap3A_78, %swap3A_79, %swap3A_80] : memref<1x512x3xi32, #tpu.memory_space<vmem>>, vector<1x512x1xi32>
    %swap3A_82 = vector.shape_cast %swap3A_81 : vector<1x512x1xi32> to vector<512x1xi32>
    %swap3A_83 = vector.shape_cast %convert_element_type3A_77 : vector<512x1xi32> to vector<1x512x1xi32>
    tpu.vector_store %arg6[%swap3A_78, %swap3A_79, %swap3A_80], %swap3A_83 {strides = array<i32>} : memref<1x512x3xi32, #tpu.memory_space<vmem>>, vector<1x512x1xi32>,
    %convert_element_type3A_84 = arith.fptosi %scan3A_20#12 : vector<512x1xf32> to vector<512x1xi32>
    %swap3A_85 = arith.constant 0 : index
    %swap3A_86 = arith.constant 0 : index
    %swap3A_87 = arith.constant 2 : index
    %swap3A_88 = vector.load %arg6[%swap3A_85, %swap3A_86, %swap3A_87] : memref<1x512x3xi32, #tpu.memory_space<vmem>>, vector<1x512x1xi32>
    %swap3A_89 = vector.shape_cast %swap3A_88 : vector<1x512x1xi32> to vector<512x1xi32>
    %swap3A_90 = vector.shape_cast %convert_element_type3A_84 : vector<512x1xi32> to vector<1x512x1xi32>
    tpu.vector_store %arg6[%swap3A_85, %swap3A_86, %swap3A_87], %swap3A_90 {strides = array<i32>} : memref<1x512x3xi32, #tpu.memory_space<vmem>>, vector<1x512x1xi32>,
    %swap3A_91 = arith.constant 0 : index
    %swap3A_92 = arith.constant 0 : index
    %swap3A_93 = arith.constant 0 : index
    %swap3A_94 = vector.load %arg7[%swap3A_91, %swap3A_92, %swap3A_93] : memref<1x512x3xf32, #tpu.memory_space<vmem>>, vector<1x512x1xf32>
    %swap3A_95 = vector.shape_cast %swap3A_94 : vector<1x512x1xf32> to vector<512x1xf32>
    %swap3A_96 = vector.shape_cast %scan3A_20#2 : vector<512x1xf32> to vector<1x512x1xf32>
    tpu.vector_store %arg7[%swap3A_91, %swap3A_92, %swap3A_93], %swap3A_96 {strides = array<i32>} : memref<1x512x3xf32, #tpu.memory_space<vmem>>, vector<1x512x1xf32>,
    %swap3A_97 = arith.constant 0 : index
    %swap3A_98 = arith.constant 0 : index
    %swap3A_99 = arith.constant 1 : index
    %swap3A_100 = vector.load %arg7[%swap3A_97, %swap3A_98, %swap3A_99] : memref<1x512x3xf32, #tpu.memory_space<vmem>>, vector<1x512x1xf32>
    %swap3A_101 = vector.shape_cast %swap3A_100 : vector<1x512x1xf32> to vector<512x1xf32>
    %swap3A_102 = vector.shape_cast %scan3A_20#3 : vector<512x1xf32> to vector<1x512x1xf32>
    tpu.vector_store %arg7[%swap3A_97, %swap3A_98, %swap3A_99], %swap3A_102 {strides = array<i32>} : memref<1x512x3xf32, #tpu.memory_space<vmem>>, vector<1x512x1xf32>,
    %swap3A_103 = arith.constant 0 : index
    %swap3A_104 = arith.constant 0 : index
    %swap3A_105 = arith.constant 2 : index
    %swap3A_106 = vector.load %arg7[%swap3A_103, %swap3A_104, %swap3A_105] : memref<1x512x3xf32, #tpu.memory_space<vmem>>, vector<1x512x1xf32>
    %swap3A_107 = vector.shape_cast %swap3A_106 : vector<1x512x1xf32> to vector<512x1xf32>
    %swap3A_108 = vector.shape_cast %mul3A_41 : vector<512x1xf32> to vector<1x512x1xf32>
    tpu.vector_store %arg7[%swap3A_103, %swap3A_104, %swap3A_105], %swap3A_108 {strides = array<i32>} : memref<1x512x3xf32, #tpu.memory_space<vmem>>, vector<1x512x1xf32>,
    %div3A = arith.divf %sub3A_42, %max3A_53 : vector<512x1xf32>
    %swap3A_109 = arith.constant 0 : index
    %swap3A_110 = arith.constant 0 : index
    %swap3A_111 = arith.constant 0 : index
    %swap3A_112 = vector.load %arg8[%swap3A_109, %swap3A_110, %swap3A_111] : memref<1x512x3xf32, #tpu.memory_space<vmem>>, vector<1x512x1xf32>
    %swap3A_113 = vector.shape_cast %swap3A_112 : vector<1x512x1xf32> to vector<512x1xf32>
    %swap3A_114 = vector.shape_cast %div3A : vector<512x1xf32> to vector<1x512x1xf32>
    tpu.vector_store %arg8[%swap3A_109, %swap3A_110, %swap3A_111], %swap3A_114 {strides = array<i32>} : memref<1x512x3xf32, #tpu.memory_space<vmem>>, vector<1x512x1xf32>,
    %div3A_115 = arith.divf %sub3A_43, %max3A_53 : vector<512x1xf32>
    %swap3A_116 = arith.constant 0 : index
    %swap3A_117 = arith.constant 0 : index
    %swap3A_118 = arith.constant 1 : index
    %swap3A_119 = vector.load %arg8[%swap3A_116, %swap3A_117, %swap3A_118] : memref<1x512x3xf32, #tpu.memory_space<vmem>>, vector<1x512x1xf32>
    %swap3A_120 = vector.shape_cast %swap3A_119 : vector<1x512x1xf32> to vector<512x1xf32>
    %swap3A_121 = vector.shape_cast %div3A_115 : vector<512x1xf32> to vector<1x512x1xf32>
    tpu.vector_store %arg8[%swap3A_116, %swap3A_117, %swap3A_118], %swap3A_121 {strides = array<i32>} : memref<1x512x3xf32, #tpu.memory_space<vmem>>, vector<1x512x1xf32>,
    %div3A_122 = arith.divf %sub3A_44, %max3A_53 : vector<512x1xf32>
    %swap3A_123 = arith.constant 0 : index
    %swap3A_124 = arith.constant 0 : index
    %swap3A_125 = arith.constant 2 : index
    %swap3A_126 = vector.load %arg8[%swap3A_123, %swap3A_124, %swap3A_125] : memref<1x512x3xf32, #tpu.memory_space<vmem>>, vector<1x512x1xf32>
    %swap3A_127 = vector.shape_cast %swap3A_126 : vector<1x512x1xf32> to vector<512x1xf32>
    %swap3A_128 = vector.shape_cast %div3A_122 : vector<512x1xf32> to vector<1x512x1xf32>
    tpu.vector_store %arg8[%swap3A_123, %swap3A_124, %swap3A_125], %swap3A_128 {strides = array<i32>} : memref<1x512x3xf32, #tpu.memory_space<vmem>>, vector<1x512x1xf32>,
    return
  }
  func.func @transform_0(%arg0: i32) -> (i32, i32, i32) {
    %c0_i32 = arith.constant 0 : i32
    %c0_i32_0 = arith.constant 0 : i32
    %c0_i32_1 = arith.constant 0 : i32
    return %arg0, %c0_i32, %c0_i32_0 : i32, i32, i32
  }
  func.func @transform_1(%arg0: i32) -> (i32, i32, i32) {
    %c0_i32 = arith.constant 0 : i32
    %c0_i32_0 = arith.constant 0 : i32
    %c0_i32_1 = arith.constant 0 : i32
    return %arg0, %c0_i32, %c0_i32_0 : i32, i32, i32
  }
  func.func @transform_2(%arg0: i32) -> (i32, i32, i32) {
    %c0_i32 = arith.constant 0 : i32
    %c0_i32_0 = arith.constant 0 : i32
    %c0_i32_1 = arith.constant 0 : i32
    return %arg0, %c0_i32, %c0_i32_0 : i32, i32, i32
  }
  func.func @transform_3(%arg0: i32) -> (i32, i32, i32) {
    %c0_i32 = arith.constant 0 : i32
    %c0_i32_0 = arith.constant 0 : i32
    %c0_i32_1 = arith.constant 0 : i32
    return %arg0, %c0_i32, %c0_i32_0 : i32, i32, i32
  }
  func.func @transform_4(%arg0: i32) -> (i32, i32, i32) {
    %c0_i32 = arith.constant 0 : i32
    %c0_i32_0 = arith.constant 0 : i32
    %c0_i32_1 = arith.constant 0 : i32
    return %arg0, %c0_i32, %c0_i32_0 : i32, i32, i32
  }
  func.func @transform_5(%arg0: i32) -> (i32, i32, i32) {
    %c0_i32 = arith.constant 0 : i32
    %c0_i32_0 = arith.constant 0 : i32
    %c0_i32_1 = arith.constant 0 : i32
    return %arg0, %c0_i32, %c0_i32_0 : i32, i32, i32
  }
  func.func @transform_6(%arg0: i32) -> (i32, i32, i32) {
    %c0_i32 = arith.constant 0 : i32
    %c0_i32_0 = arith.constant 0 : i32
    %c0_i32_1 = arith.constant 0 : i32
    return %arg0, %c0_i32, %c0_i32_0 : i32, i32, i32
  }
  func.func @transform_7(%arg0: i32) -> (i32, i32, i32) {
    %c0_i32 = arith.constant 0 : i32
    %c0_i32_0 = arith.constant 0 : i32
    %c0_i32_1 = arith.constant 0 : i32
    return %arg0, %c0_i32, %c0_i32_0 : i32, i32, i32
  }
}

module attributes {stable_mosaic.version = 14 : i64} {
  func.func @_wsum_body(%arg0: i32, %arg1: memref<512x128xf32, #tpu.memory_space<vmem>>, %arg2: memref<512x128xf32, #tpu.memory_space<vmem>>, %arg3: memref<512x128xf32, #tpu.memory_space<vmem>>, %arg4: memref<512x3xi32, #tpu.memory_space<vmem>>, %arg5: memref<512x3xf32, #tpu.memory_space<vmem>>, %arg6: memref<512x32xf32, #tpu.memory_space<vmem>>) attributes {dimension_semantics = [#tpu.dimension_semantics<arbitrary>], iteration_bounds = array<i64: 4>, scalar_prefetch = 0 : i64, scratch_operands = 0 : i64, tpu.core_type = #tpu.core_type<tc>, window_params = [{transform_indices = @transform_0, window_bounds = array<i64: 512, 128>}, {transform_indices = @transform_1, window_bounds = array<i64: 512, 128>}, {transform_indices = @transform_2, window_bounds = array<i64: 512, 128>}, {transform_indices = @transform_3, window_bounds = array<i64: 512, 3>}, {transform_indices = @transform_4, window_bounds = array<i64: 512, 3>}, {transform_indices = @transform_5, window_bounds = array<i64: 512, 32>}]} {
    %get3A = arith.constant 0 : index
    %get3A_0 = arith.constant 0 : index
    %get3A_1 = vector.load %arg5[%get3A, %get3A_0] : memref<512x3xf32, #tpu.memory_space<vmem>>, vector<512x1xf32>
    %get3A_2 = arith.constant 0 : index
    %get3A_3 = arith.constant 1 : index
    %get3A_4 = vector.load %arg5[%get3A_2, %get3A_3] : memref<512x3xf32, #tpu.memory_space<vmem>>, vector<512x1xf32>
    %get3A_5 = arith.constant 0 : index
    %get3A_6 = arith.constant 2 : index
    %get3A_7 = vector.load %arg5[%get3A_5, %get3A_6] : memref<512x3xf32, #tpu.memory_space<vmem>>, vector<512x1xf32>
    %get3A_8 = arith.constant 0 : index
    %get3A_9 = arith.constant 0 : index
    %get3A_10 = vector.load %arg4[%get3A_8, %get3A_9] : memref<512x3xi32, #tpu.memory_space<vmem>>, vector<512x1xi32>
    %get3A_11 = arith.constant 0 : index
    %get3A_12 = arith.constant 0 : index
    %get3A_13 = vector.load %arg1[%get3A_11, %get3A_12] : memref<512x128xf32, #tpu.memory_space<vmem>>, vector<512x32xf32>
    %eq3A = arith.constant 1 : i32
    %eq3A_14 = vector.broadcast %eq3A : i32 to vector<512x1xi32>
    %eq3A_15 = arith.cmpi eq, %get3A_10, %eq3A_14 : vector<512x1xi32>
    %get3A_16 = arith.constant 0 : index
    %get3A_17 = arith.constant 32 : index
    %get3A_18 = vector.load %arg1[%get3A_16, %get3A_17] : memref<512x128xf32, #tpu.memory_space<vmem>>, vector<512x32xf32>
    %broadcast_in_dim3A = vector.shape_cast %eq3A_15 : vector<512x1xi1> to vector<512x1xi1>
    %broadcast_in_dim3A_19 = vector.broadcast %broadcast_in_dim3A : vector<512x1xi1> to vector<512x32xi1>
    %select_n3A = arith.select %broadcast_in_dim3A_19, %get3A_18, %get3A_13 : vector<512x32xi1>, vector<512x32xf32>
    %eq3A_20 = arith.constant 2 : i32
    %eq3A_21 = vector.broadcast %eq3A_20 : i32 to vector<512x1xi32>
    %eq3A_22 = arith.cmpi eq, %get3A_10, %eq3A_21 : vector<512x1xi32>
    %get3A_23 = arith.constant 0 : index
    %get3A_24 = arith.constant 64 : index
    %get3A_25 = vector.load %arg1[%get3A_23, %get3A_24] : memref<512x128xf32, #tpu.memory_space<vmem>>, vector<512x32xf32>
    %broadcast_in_dim3A_26 = vector.shape_cast %eq3A_22 : vector<512x1xi1> to vector<512x1xi1>
    %broadcast_in_dim3A_27 = vector.broadcast %broadcast_in_dim3A_26 : vector<512x1xi1> to vector<512x32xi1>
    %select_n3A_28 = arith.select %broadcast_in_dim3A_27, %get3A_25, %select_n3A : vector<512x32xi1>, vector<512x32xf32>
    %eq3A_29 = arith.constant 3 : i32
    %eq3A_30 = vector.broadcast %eq3A_29 : i32 to vector<512x1xi32>
    %eq3A_31 = arith.cmpi eq, %get3A_10, %eq3A_30 : vector<512x1xi32>
    %get3A_32 = arith.constant 0 : index
    %get3A_33 = arith.constant 96 : index
    %get3A_34 = vector.load %arg1[%get3A_32, %get3A_33] : memref<512x128xf32, #tpu.memory_space<vmem>>, vector<512x32xf32>
    %broadcast_in_dim3A_35 = vector.shape_cast %eq3A_31 : vector<512x1xi1> to vector<512x1xi1>
    %broadcast_in_dim3A_36 = vector.broadcast %broadcast_in_dim3A_35 : vector<512x1xi1> to vector<512x32xi1>
    %select_n3A_37 = arith.select %broadcast_in_dim3A_36, %get3A_34, %select_n3A_28 : vector<512x32xi1>, vector<512x32xf32>
    %mul3A = vector.broadcast %get3A_1 : vector<512x1xf32> to vector<512x32xf32>
    %mul3A_38 = arith.mulf %select_n3A_37, %mul3A : vector<512x32xf32>
    %get3A_39 = arith.constant 0 : index
    %get3A_40 = arith.constant 1 : index
    %get3A_41 = vector.load %arg4[%get3A_39, %get3A_40] : memref<512x3xi32, #tpu.memory_space<vmem>>, vector<512x1xi32>
    %get3A_42 = arith.constant 0 : index
    %get3A_43 = arith.constant 0 : index
    %get3A_44 = vector.load %arg2[%get3A_42, %get3A_43] : memref<512x128xf32, #tpu.memory_space<vmem>>, vector<512x32xf32>
    %eq3A_45 = arith.constant 1 : i32
    %eq3A_46 = vector.broadcast %eq3A_45 : i32 to vector<512x1xi32>
    %eq3A_47 = arith.cmpi eq, %get3A_41, %eq3A_46 : vector<512x1xi32>
    %get3A_48 = arith.constant 0 : index
    %get3A_49 = arith.constant 32 : index
    %get3A_50 = vector.load %arg2[%get3A_48, %get3A_49] : memref<512x128xf32, #tpu.memory_space<vmem>>, vector<512x32xf32>
    %broadcast_in_dim3A_51 = vector.shape_cast %eq3A_47 : vector<512x1xi1> to vector<512x1xi1>
    %broadcast_in_dim3A_52 = vector.broadcast %broadcast_in_dim3A_51 : vector<512x1xi1> to vector<512x32xi1>
    %select_n3A_53 = arith.select %broadcast_in_dim3A_52, %get3A_50, %get3A_44 : vector<512x32xi1>, vector<512x32xf32>
    %eq3A_54 = arith.constant 2 : i32
    %eq3A_55 = vector.broadcast %eq3A_54 : i32 to vector<512x1xi32>
    %eq3A_56 = arith.cmpi eq, %get3A_41, %eq3A_55 : vector<512x1xi32>
    %get3A_57 = arith.constant 0 : index
    %get3A_58 = arith.constant 64 : index
    %get3A_59 = vector.load %arg2[%get3A_57, %get3A_58] : memref<512x128xf32, #tpu.memory_space<vmem>>, vector<512x32xf32>
    %broadcast_in_dim3A_60 = vector.shape_cast %eq3A_56 : vector<512x1xi1> to vector<512x1xi1>
    %broadcast_in_dim3A_61 = vector.broadcast %broadcast_in_dim3A_60 : vector<512x1xi1> to vector<512x32xi1>
    %select_n3A_62 = arith.select %broadcast_in_dim3A_61, %get3A_59, %select_n3A_53 : vector<512x32xi1>, vector<512x32xf32>
    %eq3A_63 = arith.constant 3 : i32
    %eq3A_64 = vector.broadcast %eq3A_63 : i32 to vector<512x1xi32>
    %eq3A_65 = arith.cmpi eq, %get3A_41, %eq3A_64 : vector<512x1xi32>
    %get3A_66 = arith.constant 0 : index
    %get3A_67 = arith.constant 96 : index
    %get3A_68 = vector.load %arg2[%get3A_66, %get3A_67] : memref<512x128xf32, #tpu.memory_space<vmem>>, vector<512x32xf32>
    %broadcast_in_dim3A_69 = vector.shape_cast %eq3A_65 : vector<512x1xi1> to vector<512x1xi1>
    %broadcast_in_dim3A_70 = vector.broadcast %broadcast_in_dim3A_69 : vector<512x1xi1> to vector<512x32xi1>
    %select_n3A_71 = arith.select %broadcast_in_dim3A_70, %get3A_68, %select_n3A_62 : vector<512x32xi1>, vector<512x32xf32>
    %mul3A_72 = vector.broadcast %get3A_4 : vector<512x1xf32> to vector<512x32xf32>
    %mul3A_73 = arith.mulf %select_n3A_71, %mul3A_72 : vector<512x32xf32>
    %add3A = arith.addf %mul3A_38, %mul3A_73 : vector<512x32xf32>
    %get3A_74 = arith.constant 0 : index
    %get3A_75 = arith.constant 2 : index
    %get3A_76 = vector.load %arg4[%get3A_74, %get3A_75] : memref<512x3xi32, #tpu.memory_space<vmem>>, vector<512x1xi32>
    %get3A_77 = arith.constant 0 : index
    %get3A_78 = arith.constant 0 : index
    %get3A_79 = vector.load %arg3[%get3A_77, %get3A_78] : memref<512x128xf32, #tpu.memory_space<vmem>>, vector<512x32xf32>
    %eq3A_80 = arith.constant 1 : i32
    %eq3A_81 = vector.broadcast %eq3A_80 : i32 to vector<512x1xi32>
    %eq3A_82 = arith.cmpi eq, %get3A_76, %eq3A_81 : vector<512x1xi32>
    %get3A_83 = arith.constant 0 : index
    %get3A_84 = arith.constant 32 : index
    %get3A_85 = vector.load %arg3[%get3A_83, %get3A_84] : memref<512x128xf32, #tpu.memory_space<vmem>>, vector<512x32xf32>
    %broadcast_in_dim3A_86 = vector.shape_cast %eq3A_82 : vector<512x1xi1> to vector<512x1xi1>
    %broadcast_in_dim3A_87 = vector.broadcast %broadcast_in_dim3A_86 : vector<512x1xi1> to vector<512x32xi1>
    %select_n3A_88 = arith.select %broadcast_in_dim3A_87, %get3A_85, %get3A_79 : vector<512x32xi1>, vector<512x32xf32>
    %eq3A_89 = arith.constant 2 : i32
    %eq3A_90 = vector.broadcast %eq3A_89 : i32 to vector<512x1xi32>
    %eq3A_91 = arith.cmpi eq, %get3A_76, %eq3A_90 : vector<512x1xi32>
    %get3A_92 = arith.constant 0 : index
    %get3A_93 = arith.constant 64 : index
    %get3A_94 = vector.load %arg3[%get3A_92, %get3A_93] : memref<512x128xf32, #tpu.memory_space<vmem>>, vector<512x32xf32>
    %broadcast_in_dim3A_95 = vector.shape_cast %eq3A_91 : vector<512x1xi1> to vector<512x1xi1>
    %broadcast_in_dim3A_96 = vector.broadcast %broadcast_in_dim3A_95 : vector<512x1xi1> to vector<512x32xi1>
    %select_n3A_97 = arith.select %broadcast_in_dim3A_96, %get3A_94, %select_n3A_88 : vector<512x32xi1>, vector<512x32xf32>
    %eq3A_98 = arith.constant 3 : i32
    %eq3A_99 = vector.broadcast %eq3A_98 : i32 to vector<512x1xi32>
    %eq3A_100 = arith.cmpi eq, %get3A_76, %eq3A_99 : vector<512x1xi32>
    %get3A_101 = arith.constant 0 : index
    %get3A_102 = arith.constant 96 : index
    %get3A_103 = vector.load %arg3[%get3A_101, %get3A_102] : memref<512x128xf32, #tpu.memory_space<vmem>>, vector<512x32xf32>
    %broadcast_in_dim3A_104 = vector.shape_cast %eq3A_100 : vector<512x1xi1> to vector<512x1xi1>
    %broadcast_in_dim3A_105 = vector.broadcast %broadcast_in_dim3A_104 : vector<512x1xi1> to vector<512x32xi1>
    %select_n3A_106 = arith.select %broadcast_in_dim3A_105, %get3A_103, %select_n3A_97 : vector<512x32xi1>, vector<512x32xf32>
    %mul3A_107 = vector.broadcast %get3A_7 : vector<512x1xf32> to vector<512x32xf32>
    %mul3A_108 = arith.mulf %select_n3A_106, %mul3A_107 : vector<512x32xf32>
    %add3A_109 = arith.addf %add3A, %mul3A_108 : vector<512x32xf32>
    %swap3A = arith.constant 0 : index
    %swap3A_110 = arith.constant 0 : index
    %swap3A_111 = vector.load %arg6[%swap3A, %swap3A_110] : memref<512x32xf32, #tpu.memory_space<vmem>>, vector<512x32xf32>
    tpu.vector_store %arg6[%swap3A, %swap3A_110], %add3A_109 {strides = array<i32>} : memref<512x32xf32, #tpu.memory_space<vmem>>, vector<512x32xf32>,
    return
  }
  func.func @transform_0(%arg0: i32) -> (i32, i32) {
    %c0_i32 = arith.constant 0 : i32
    %c0_i32_0 = arith.constant 0 : i32
    return %arg0, %c0_i32 : i32, i32
  }
  func.func @transform_1(%arg0: i32) -> (i32, i32) {
    %c0_i32 = arith.constant 0 : i32
    %c0_i32_0 = arith.constant 0 : i32
    return %arg0, %c0_i32 : i32, i32
  }
  func.func @transform_2(%arg0: i32) -> (i32, i32) {
    %c0_i32 = arith.constant 0 : i32
    %c0_i32_0 = arith.constant 0 : i32
    return %arg0, %c0_i32 : i32, i32
  }
  func.func @transform_3(%arg0: i32) -> (i32, i32) {
    %c0_i32 = arith.constant 0 : i32
    %c0_i32_0 = arith.constant 0 : i32
    return %arg0, %c0_i32 : i32, i32
  }
  func.func @transform_4(%arg0: i32) -> (i32, i32) {
    %c0_i32 = arith.constant 0 : i32
    %c0_i32_0 = arith.constant 0 : i32
    return %arg0, %c0_i32 : i32, i32
  }
  func.func @transform_5(%arg0: i32) -> (i32, i32) {
    %c0_i32 = arith.constant 0 : i32
    %c0_i32_0 = arith.constant 0 : i32
    return %arg0, %c0_i32 : i32, i32
  }
}

</mosaic_0001>

<sc_bundles>
// kernel: kernel.5.cloned.1.call-start
scs
__scs_entry_jumppad:
0x0: {  	(pc) =	sbr.rel $0x88, $3  }
0x1: {  	(tag) =	ssettag $0x0;
	lr =	simm.s32 $0x1  }
0x2: {  	[smem:$0x3F9C] =	sst lr;
	_ =	strace $0xD0000000  }
0x3: {  	_ = 	snop  }
0x4: {  	_ = 	snop  }
0x5: {  	_ = 	snop  }
0x6: {  	_ = 	snop  }
0x7: {  	_ = 	snop  }
__scs_overlays_trampoline_lowered:
0x8: {  	[smem:$0x3FAB] =	sst s0  }
0x9: {  	[smem:$0x3FAC] =	sst s1  }
0xa: {  	[smem:$0x3FAD] =	sst s2  }
0xb: {  	[smem:$0x3FAE] =	sst s3  }
0xc: {  	[smem:$0x3FAF] =	sst s4  }
0xd: {  	[smem:$0x3FB0] =	sst s5  }
0xe: {  	[smem:$0x3FB1] =	sst s6  }
0xf: {  	[smem:$0x3FB2] =	sst s7  }
0x10: {  	[smem:$0x3FB3] =	sst s8  }
0x11: {  	[smem:$0x3FB4] =	sst s9;
	s0 =	simm.s32 @!p0 $0x0  }
0x12: {  	s1 =	sld [smem:$0x3F9A];
	s0 =	simm.s32 @p0 $0x1  }
0x13: {  	[smem:$0x3FB5] =	sst s0;
	s0 =	simm.s32 @!p1 $0x0  }
0x14: {  	s2 =	sld [smem:$0x3F99];
	s0 =	simm.s32 @p1 $0x1  }
0x15: {  	[smem:$0x3FB6] =	sst s0;
	s0 =	simm.s32 @!p2 $0x0  }
0x16: {  	s3 =	sld [smem:$0x3FDB];
	s0 =	simm.s32 @p2 $0x1  }
0x17: {  	s4 =	simm.s32 $0x1BF5;
	[smem:$0x3FB8] =	sst s0  }
0x18: {  	s0 =	sld [smem:$0x3F9B];
	_ =	swait.ge [sflag:s4], $0x0  }
0x19: {  	s7 =	sld [smem:$0x3F9C]  }
0x1a: {  	s8 =	sadd.s32 $0xFFFFE003, lr  }
0x1b: {  	s9 =	sadd.s32 $0xFFFFFEF7, lr;
	s5 =	simm.s32 $0xFFFFFFFF;
	p2 =	slt.u32 s8, $0xFFFFF086  }
0x1c: {  	p1 =	slt.u32 s9, $0xF7A;
	s5 =	simm.s32 @!p2 $0x0  }
0x1d: {  	s5 =	simm.s32 @p1 $0x1;
	p0 =	seq.s32 s7, s2  }
0x1e: {  	s7 =	smul.u32 @!p0 $0xF7A, s2;
	p2 =	seq.s32 @!p0 s5, $0x0  }
0x1f: {  	s9 =	smul.u32 $0xF7A, s1;
	s8 =	simm.s32 @!p0 $0x1BF5;
	p2 =	por !p2, p0  }
0x20: {  	[sflag:s8] =	ssyncset.s32 @!p0 $0xFFFFF086;
	s6 =	sadd.s32 @!p0 s3, s7;
	s7 =	simm.s32 @!p0 $0x108  }
0x21: {  	s3 =	sadd.s32 s3, s9;
	s6 =	sadd.s32 @!p0 $0x88, s6;
	s7 =	simm.s32 @p2 $0x1082  }
0x22: {  	[simem:s7], [sflag:s8] =	dma.local @!p0 [hbm:s6], $0xF7A  }
0x23: {  	s9 =	sor.u32 $0xD0000000, s2;
	s6 =	simm.s32 $0x108;
	_ =	swait.ge @!p0 [sflag:s8], $0x0  }
0x24: {  	s3 =	sadd.s32 $0x88, s3;
	s6 =	simm.s32 @!p1 $0x1082;
	[sflag:s4] =	ssyncset.s32 $0xFFFFF086  }
0x25: {  	[simem:s6], [sflag:s4] =	dma.local [hbm:s3], $0xF7A  }
0x26: {  	[smem:$0x3F9C] =	sst s1;
	(tag) =	ssettag s2;
	_ =	strace s9  }
0x27: {  	s1 =	sld [smem:$0x3FAC]  }
0x28: {  	s2 =	sld [smem:$0x3FAD]  }
0x29: {  	s4 =	sld [smem:$0x3FAF]  }
0x2a: {  	p0 =	seq.s32 s5, $0x0;
	s5 =	sld [smem:$0x3FB0]  }
0x2b: {  	s6 =	sld [smem:$0x3FB1]  }
0x2c: {  	s7 =	sld [smem:$0x3FB2]  }
0x2d: {  	s3 =	simm.s32 $0x108;
	s8 =	sld [smem:$0x3FB3]  }
0x2e: {  	s3 =	simm.s32 @!p0 $0x1082;
	s9 =	sld [smem:$0x3FB4]  }
0x2f: {  	lr =	sadd.s32 s0, s3;
	s0 =	sld [smem:$0x3FAB]  }
0x30: {  	s3 =	sld [smem:$0x3FAE]  }
0x31: {  	[smem:$0x3FB7] =	sst s10  }
0x32: {  	s10 =	sld [smem:$0x3FB5];
	_ =	sdelay $0x3  }
0x33: {  	p0 =	seq.s32 s10, $0x1;
	s10 =	sld [smem:$0x3FB7];
	_ =	sdelay $0x3  }
0x34: {  	[smem:$0x3FB7] =	sst s10  }
0x35: {  	s10 =	sld [smem:$0x3FB6];
	_ =	sdelay $0x3  }
0x36: {  	p1 =	seq.s32 s10, $0x1;
	s10 =	sld [smem:$0x3FB7];
	_ =	sdelay $0x3  }
0x37: {  	[smem:$0x3FB7] =	sst s10  }
0x38: {  	s10 =	sld [smem:$0x3FB8]  }
0x39: {  	_ = 	snop;
	(pc) =	sbr.ind lr, $3  }
0x3a: {  	_ = 	snop  }
0x3b: {  	_ = 	snop  }
0x3c: {  	p2 =	seq.s32 s10, $0x1;
	s10 =	sld [smem:$0x3FB7]  }
0x3d: {  	_ =	shalt  }
0x3e: {  	_ =	shalt  }
0x3f: {  	_ =	shalt  }
0x40: {  	_ =	shalt  }
0x41: {  	_ =	shalt  }
0x42: {  	_ =	shalt  }
0x43: {  	_ =	shalt  }
0x44: {  	_ =	shalt  }
0x45: {  	_ =	shalt  }
0x46: {  	_ =	shalt  }
0x47: {  	_ =	shalt  }
0x48: {  	_ =	shalt  }
0x49: {  	_ =	shalt  }
0x4a: {  	_ =	shalt  }
0x4b: {  	_ =	shalt  }
0x4c: {  	_ =	shalt  }
0x4d: {  	_ =	shalt  }
0x4e: {  	_ =	shalt  }
0x4f: {  	_ =	shalt  }
0x50: {  	_ =	shalt  }
0x51: {  	_ =	shalt  }
0x52: {  	_ =	shalt  }
0x53: {  	_ =	shalt  }
0x54: {  	_ =	shalt  }
0x55: {  	_ =	shalt  }
0x56: {  	_ =	shalt  }
0x57: {  	_ =	shalt  }
0x58: {  	_ =	shalt  }
0x59: {  	_ =	shalt  }
0x5a: {  	_ =	shalt  }
0x5b: {  	_ =	shalt  }
0x5c: {  	_ =	shalt  }
0x5d: {  	_ =	shalt  }
0x5e: {  	_ =	shalt  }
0x5f: {  	_ =	shalt  }
0x60: {  	_ =	shalt  }
0x61: {  	_ =	shalt  }
0x62: {  	_ =	shalt  }
0x63: {  	_ =	shalt  }
0x64: {  	_ =	shalt  }
0x65: {  	_ =	shalt  }
0x66: {  	_ =	shalt  }
0x67: {  	_ =	shalt  }
0x68: {  	_ =	shalt  }
0x69: {  	_ =	shalt  }
0x6a: {  	_ =	shalt  }
0x6b: {  	_ =	shalt  }
0x6c: {  	_ =	shalt  }
0x6d: {  	_ =	shalt  }
0x6e: {  	_ =	shalt  }
0x6f: {  	_ =	shalt  }
0x70: {  	_ =	shalt  }
0x71: {  	_ =	shalt  }
0x72: {  	_ =	shalt  }
0x73: {  	_ =	shalt  }
0x74: {  	_ =	shalt  }
0x75: {  	_ =	shalt  }
0x76: {  	_ =	shalt  }
0x77: {  	_ =	shalt  }
0x78: {  	_ =	shalt  }
0x79: {  	_ =	shalt  }
0x7a: {  	_ =	shalt  }
0x7b: {  	_ =	shalt  }
0x7c: {  	_ =	shalt  }
0x7d: {  	_ =	shalt  }
0x7e: {  	_ =	shalt  }
0x7f: {  	_ =	shalt  }
0x80: {  	_ =	shalt  }
0x81: {  	_ =	shalt  }
0x82: {  	_ =	shalt  }
0x83: {  	_ =	shalt  }
0x84: {  	_ =	shalt  }
0x85: {  	_ =	shalt  }
0x86: {  	_ =	shalt  }
0x87: {  	_ =	shalt  }
.Lfunc_end0:
.L_simem_size_0:
called_computation_lowered:
.L_overlay_start_0:
0x88: {  	s2 =	sld [smem:$0x3FD9]  }
0x89: {  	s3 =	sld [smem:$0x3FFE];
	_ =	sdelay $0x1  }
0x8a: {  	s1 =	srdreg.scid  }
0x8b: {  	s0 =	sand.u32 $0x1, s1  }
0x8c: {  	s14 =	sshll.u32 s0, $0xA;
	s2 =	sadd.s32 s3, s2  }
0x8d: {  	s2 =	sadd.s32 s2, s14  }
0x8e: {  	[smem:$0x3FC3] =	sst s2  }
0x8f: {  	_ = 	snop  }
0x90: {  	s2 =	sld [smem:$0x3FD0];
	_ =	sdelay $0x2  }
0x91: {  	s15 =	simm.s32 $0xA;
	s4 =	simm.s32 $0x10  }
0x92: {  	[smem:s4], [sflag:s15] =	dma.local [hbm:s2], $0x1  }
0x93: {  	_ =	swait.eq [sflag:s15], $0x1  }
0x94: {  	[sflag:s15] =	ssyncset.done $0x0  }
0x95: {  	[sflag:s15] =	ssyncadd.s32 $0xFFFFFFFF  }
0x96: {  	s16 =	sld [smem:$0x10];
	(tm) =	ssettm $0x1  }
0x97: {  	s17 =	sld [smem:$0x3FFB];
	_ =	sdelay $0x3  }
0x98: {  	_ =	strace s17  }
0x99: {  	s3 =	sld [smem:$0x3FFC];
	_ =	sdelay $0x3  }
0x9a: {  	_ =	strace s3  }
0x9b: {  	s3 =	sld [smem:$0x3FFD];
	_ =	sdelay $0x3  }
0x9c: {  	_ =	strace s3  }
0x9d: {  	_ =	strace $0x8FFFFFFF  }
0x9e: {  	s18 =	sld [smem:$0x3FDB];
	_ =	sdelay $0x1  }
0x9f: {  	s19 =	simm.s32 $_scs_section_size  }
0xa0: {  	s5 =	simm.s32 $_size__tile_overlayer_lowered;
	s6 =	simm.s32 $_tile_overlayer_lowered  }
0xa1: {  	s22 =	simm.s32 $0x1BFF;
	s21 =	sshll.u32 s6, $0x1;
	s3 =	sadd.s32 s19, s18  }
0xa2: {  	s7 =	simm.s32 $0x0;
	s20 =	sshll.u32 s5, $0x1;
	s5 =	sadd.s32 s21, s3  }
0xa3: {  	[timem:s7], [sflag:s22] =	dma.local [hbm:s5], s20  }
0xa4: {  	_ =	swait.ge [sflag:s22], s20  }
0xa5: {  	s4 =	ssub.s32 $0x0, s20;
	[sflag:s22] =	ssyncset.done $0x0  }
0xa6: {  	[sflag:s22] =	ssyncadd.s32 s4;
	_ =	sdelay $0x1  }
0xa7: {  	s23 =	simm.s32 $0x1B8B  }
0xa8: {  	_ =	swait.ge [sflag:s23], $0x1  }
0xa9: {  	[sflag:s23] =	ssyncset.done $0x0  }
0xaa: {  	s25 =	simm.s32 $0x1B8E;
	s24 =	sld [smem:$0x3FFE];
	[sflag:s23] =	ssyncadd.s32 $0xFFFFFFFF  }
0xab: {  	s26 =	simm.s32 $execute0_lowered;
	[smem:$0x3FD2] =	sst s25  }
0xac: {  	s5 =	sshll.u32 s26, $0x1;
	_ =	strace $0x80000046;
	[dreg:$0x1] =	wrdreg $0xFFFFFFFF  }
0xad: {  	s28 =	simm.s32 $_size_execute0_lowered;
	s3 =	sadd.s32 s3, s5;
	[dreg:$0x0] =	wrdreg $0x0  }
0xae: {  	s5 =	sshll.u32 s28, $0x1;
	[dreg:$0x2] =	wrdreg s3  }
0xaf: {  	[dreg:$0x3] =	wrdreg s5  }
0xb0: {  	[dreg:$0x4] =	wrdreg $0xC0  }
0xb1: {  	_ =	task [dreg:s7], $0x5FFFF  }
0xb2: {  	[dreg:$0x1] =	wrdreg $0xFFFFFFFF  }
0xb3: {  	[dreg:$0x0] =	wrdreg $0x60  }
0xb4: {  	[dreg:$0x2] =	wrdreg s16  }
0xb5: {  	[dreg:$0x3] =	wrdreg s24  }
0xb6: {  	[dreg:$0x4] =	wrdreg $0x9  }
0xb7: {  	_ =	task.clear_ibuf [dreg:s7], $0x5FFFF;
	_ =	strace $0x90000046  }
0xb8: {  	s29 =	simm.s32 $0x9;
	_ =	strace $0x80000048  }
0xb9: {  	_ =	swait.ge [sflag:s29], $0x1  }
0xba: {  	[sflag:s29] =	ssyncadd.s32 $0xFFFFFFFF  }
0xbb: {  	_ =	strace $0x90000048  }
0xbc: {  	_ =	sfence  }
0xbd: {  	s30 =	sld [smem:$0x0];
	_ =	sdelay $0x2  }
0xbe: {  	s31 =	sshll.u32 s1, $0xD;
	s1 =	sshrl.u32 s1, $0x2  }
0xbf: {  	s3 =	sand.u32 $0x4000, s31;
	s1 =	sadd.s32 s1, s30  }
0xc0: {  	s0 =	sor.u32 s3, s0;
	s1 =	sshll.u32 s1, $0x11  }
0xc1: {  	s0 =	sor.u32 s1, s0  }
0xc2: {  	s0 =	sadd.s32 $0x8F2B, s0  }
0xc3: {  	[sflag:s0] =	ssyncadd.remote.s32 $0x1  }
0xc4: {  	_ =	sfence.sel $0xFFFF  }
0xc5: {  	[dreg:$0x0] =	wrdreg $0xFFFFFFFF;
	(pc) =	sbr.abs _section_cstart, $3  }
0xc6: {  	[dreg:$0x1] =	wrdreg $0xFFFFFFFF  }
0xc7: {  	_ =	task.clear_ibuf [dreg:s7], $0x2FFFF;
	_ =	strace $0x9FFFFFFF  }
0xc8: {  	(tm) =	ssettm $0x7FFFFFFF  }
0xc9: {  	_ =	shalt  }
tec
execute0_lowered:
.L_overlay_start_1:
0x0: {  	(tag) =	ssettag $0x1  }
0x1: {  	s1 =	srdreg.scid  }
0x2: {  	s3 =	rddreg [dreg:$0x0];
	s0 =	stileid.u32;
	s16 =	sand.u32 $0x1, s1  }
0x3: {  	s15 =	rddreg [dreg:$0x1];
	s4 =	sshll.u32 s0, $0x7;
	s5 =	sshll.u32 s16, $0x6  }
0x4: {  	s2 =	simm.s32 $0x0;
	s1 =	rddreg [dreg:$0x2];
	s17 =	sor.u32 s5, s4  }
0x5: {  	[smem:$0x7FF] =	sst s2;
	s5 =	sshrl.u32 s17, $0x3  }
0x6: {  	_ =	strace $0x80000047;
	s4 =	sadd.s32 s3, s5;
	s3 =	simm.s32 $0x2  }
0x7: {  	[tilespmem:s2], [sflag:$0x2] =	stream.linear.gather [hbm4b:s4+s2], $0x40, $0x38;
	[tilespmem:$0x6180] =	vst v63  }
0x8: {  	_ =	swait.ge [sflag:s3], $0x40  }
0x9: {  	s7 =	sadd.s32 s5, s15;
	[sflag:s3] =	ssyncset.done $0x0  }
0xa: {  	s6 =	simm.s32 $0x80;
	s5 =	sadd.s32 $0x21A00, s7;
	[sflag:s3] =	ssyncadd.s32 $0xFFFFFFC0  }
0xb: {  	[tilespmem:s6], [sflag:$0x2] =	stream.linear.gather [hbm4b:s5+s2], $0x40, $0x38;
	[tilespmem:$0x6180] =	vst v63  }
0xc: {  	_ =	swait.ge [sflag:s3], $0x40  }
0xd: {  	[sflag:s3] =	ssyncset.done $0x0  }
0xe: {  	s8 =	simm.s32 $0x100;
	s7 =	sadd.s32 $0x21800, s7;
	[sflag:s3] =	ssyncadd.s32 $0xFFFFFFC0  }
0xf: {  	[tilespmem:s8], [sflag:$0x2] =	stream.linear.gather [hbm4b:s7+s2], $0x40, $0x38;
	[tilespmem:$0x6180] =	vst v63  }
0x10: {  	_ =	swait.ge [sflag:s3], $0x40  }
0x11: {  	s10 =	simm.s32 $0x40;
	[sflag:s3] =	ssyncset.done $0x0  }
0x12: {  	s11 =	simm.s32 $0x180;
	s9 =	sadd.s32 $0x21C00, s15;
	[sflag:s3] =	ssyncadd.s32 $0xFFFFFFC0  }
0x13: {  	[tilespmem:s11], [sflag:$0x1] =	stream.indirect.gather [hbm4b:s9+s10], $0x80, s2, s10, $0xb8;
	[tilespmem:$0x6180] =	vst v63  }
0x14: {  	s12 =	simm.s32 $0x2180  }
0x15: {  	[tilespmem:s12], [sflag:$0x1] =	stream.indirect.gather [hbm4b:s9+s10], $0x80, s6, s10, $0xb8;
	[tilespmem:$0x6180] =	vst v63  }
0x16: {  	s13 =	simm.s32 $0x4180;
	s14 =	simm.s32 $0x1  }
0x17: {  	[tilespmem:s13], [sflag:$0x1] =	stream.indirect.gather [hbm4b:s9+s10], $0x80, s8, s10, $0xb8;
	[tilespmem:$0x6180] =	vst v63  }
0x18: {  	_ =	swait.ge [sflag:s14], $0x2000  }
0x19: {  	[sflag:s14] =	ssyncset.done $0x0  }
0x1a: {  	[sflag:s14] =	ssyncadd.s32 $0xFFFFE000  }
0x1b: {  	_ =	swait.ge [sflag:s14], $0x2000  }
0x1c: {  	[sflag:s14] =	ssyncset.done $0x0  }
0x1d: {  	[sflag:s14] =	ssyncadd.s32 $0xFFFFE000  }
0x1e: {  	s17 =	sshll.u32 s17, $0x4;
	_ =	swait.ge [sflag:s14], $0x2000  }
0x1f: {  	s17 =	sadd.s32 s17, s15;
	[sflag:s14] =	ssyncset.done $0x0  }
0x20: {  	s18 =	ssub.s32 $0x2, s16;
	s15 =	sadd.s32 $0x3CC00, s17;
	[sflag:s14] =	ssyncadd.s32 $0xFFFFE000  }
0x21: {  	[hbm4b:s15+s2] =	stream.linear.scatter [tilespmem:s11], [sflag:$0x2], $0x2000, $0x38;
	[tilespmem:$0x6180] =	vst v63  }
0x22: {  	s19 =	sshrl.u32 s18, $0x1;
	_ =	swait.ge [sflag:s3], $0x2000  }
0x23: {  	s18 =	ssub.s32 s18, s19;
	[sflag:s3] =	ssyncset.done $0x0  }
0x24: {  	s18 =	smax.u32 s18, $0x1;
	s16 =	sadd.s32 $0x44C00, s17;
	[sflag:s3] =	ssyncadd.s32 $0xFFFFE000  }
0x25: {  	[hbm4b:s16+s2] =	stream.linear.scatter [tilespmem:s12], [sflag:$0x2], $0x2000, $0x38;
	[tilespmem:$0x6180] =	vst v63  }
0x26: {  	p0 =	sne.s32 s18, $0x1;
	_ =	swait.ge [sflag:s3], $0x2000  }
.Ltmp0:
0x27: {  	[sflag:s3] =	ssyncset.done $0x0;
	(pc) =	sbr.rel @!p0 .LBB2_2-.Ltmp0, $4  }
0x28: {  	s17 =	sadd.s32 $0x4CC00, s17;
	[sflag:s3] =	ssyncadd.s32 $0xFFFFE000  }
0x29: {  	[hbm4b:s17+s2] =	stream.linear.scatter [tilespmem:s13], [sflag:$0x2], $0x2000, $0x38;
	[tilespmem:$0x6180] =	vst v63  }
0x2a: {  	_ =	swait.ge [sflag:s3], $0x2000  }
0x2b: {  	s18 =	sadd.s32 $0xFFFFFFFF, s18;
	[sflag:s3] =	ssyncset.done $0x0  }
.LBB2_1:
0x2c: {  	p0 =	sne.s32 s18, $0x1;
	s18 =	sadd.s32 $0xFFFFFFFF, s18;
	[sflag:s3] =	ssyncadd.s32 $0xFFFFE000  }
0x2d: {  	[tilespmem:s2], [sflag:$0x2] =	stream.linear.gather [hbm4b:s4+s2], $0x40, $0x38;
	[tilespmem:$0x6180] =	vst v63  }
0x2e: {  	_ =	swait.ge [sflag:s3], $0x40  }
0x2f: {  	[sflag:s3] =	ssyncset.done $0x0  }
0x30: {  	[sflag:s3] =	ssyncadd.s32 $0xFFFFFFC0  }
0x31: {  	[tilespmem:s6], [sflag:$0x2] =	stream.linear.gather [hbm4b:s5+s2], $0x40, $0x38;
	[tilespmem:$0x6180] =	vst v63  }
0x32: {  	_ =	swait.ge [sflag:s3], $0x40  }
0x33: {  	[sflag:s3] =	ssyncset.done $0x0  }
0x34: {  	[sflag:s3] =	ssyncadd.s32 $0xFFFFFFC0  }
0x35: {  	[tilespmem:s8], [sflag:$0x2] =	stream.linear.gather [hbm4b:s7+s2], $0x40, $0x38;
	[tilespmem:$0x6180] =	vst v63  }
0x36: {  	_ =	swait.ge [sflag:s3], $0x40  }
0x37: {  	[sflag:s3] =	ssyncset.done $0x0  }
0x38: {  	[sflag:s3] =	ssyncadd.s32 $0xFFFFFFC0  }
0x39: {  	[tilespmem:s11], [sflag:$0x1] =	stream.indirect.gather [hbm4b:s9+s10], $0x80, s2, s10, $0xb8;
	[tilespmem:$0x6180] =	vst v63  }
0x3a: {  	_ = 	snop  }
0x3b: {  	[tilespmem:s12], [sflag:$0x1] =	stream.indirect.gather [hbm4b:s9+s10], $0x80, s6, s10, $0xb8;
	[tilespmem:$0x6180] =	vst v63  }
0x3c: {  	_ = 	snop  }
0x3d: {  	[tilespmem:s13], [sflag:$0x1] =	stream.indirect.gather [hbm4b:s9+s10], $0x80, s8, s10, $0xb8;
	[tilespmem:$0x6180] =	vst v63  }
0x3e: {  	_ =	swait.ge [sflag:s14], $0x2000  }
0x3f: {  	[sflag:s14] =	ssyncset.done $0x0  }
0x40: {  	[sflag:s14] =	ssyncadd.s32 $0xFFFFE000  }
0x41: {  	_ =	swait.ge [sflag:s14], $0x2000  }
0x42: {  	[sflag:s14] =	ssyncset.done $0x0  }
0x43: {  	[sflag:s14] =	ssyncadd.s32 $0xFFFFE000  }
0x44: {  	_ =	swait.ge [sflag:s14], $0x2000  }
0x45: {  	[sflag:s14] =	ssyncset.done $0x0  }
0x46: {  	[sflag:s14] =	ssyncadd.s32 $0xFFFFE000  }
0x47: {  	[hbm4b:s15+s2] =	stream.linear.scatter [tilespmem:s11], [sflag:$0x2], $0x2000, $0x38;
	[tilespmem:$0x6180] =	vst v63  }
0x48: {  	_ =	swait.ge [sflag:s3], $0x2000  }
0x49: {  	[sflag:s3] =	ssyncset.done $0x0  }
0x4a: {  	[sflag:s3] =	ssyncadd.s32 $0xFFFFE000  }
0x4b: {  	[hbm4b:s16+s2] =	stream.linear.scatter [tilespmem:s12], [sflag:$0x2], $0x2000, $0x38;
	[tilespmem:$0x6180] =	vst v63  }
0x4c: {  	_ =	swait.ge [sflag:s3], $0x2000  }
.Ltmp1:
0x4d: {  	[sflag:s3] =	ssyncset.done $0x0;
	(pc) =	sbr.rel @p0 .LBB2_1-.Ltmp1, $4  }
0x4e: {  	[sflag:s3] =	ssyncadd.s32 $0xFFFFE000  }
0x4f: {  	[hbm4b:s17+s2] =	stream.linear.scatter [tilespmem:s13], [sflag:$0x2], $0x2000, $0x38;
	[tilespmem:$0x6180] =	vst v63  }
0x50: {  	_ =	swait.ge [sflag:s3], $0x2000  }
0x51: {  	[sflag:s3] =	ssyncset.done $0x0  }
.LBB2_2:
0x52: {  	[sflag:s3] =	ssyncadd.s32 $0xFFFFE000  }
0x53: {  	_ =	sfence.sel $0x180000  }
0x54: {  	[bflag:$0x0] =	sbarrier.arrive $0xFFFF  }
0x55: {  	p0 =	sne.s32 s0, $0x0;
	_ =	strace $0x90000047  }
0x56: {  	s0 =	sadd.s32 @!p0 $0x100000, s1;
	[bflag:$0x2] =	sbarrier.arrive $0xFFFF  }
0x57: {  	[sflag:s0] =	ssyncadd.tile.s32 @!p0 $0x1;
	_ =	shalt  }
.Lfunc_end2:
_tile_overlayer_lowered:
.L_overlay_start_2:
0x58: {  	(tag) =	ssettag $0x2  }
0x59: {  	s0 =	rddreg [dreg:$0x0];
	s2 =	stileid.u32  }
0x5a: {  	s1 =	rddreg [dreg:$0x1];
	p0 =	sne.s32 s2, $0x0  }
0x5b: {  	s3 =	rddreg [dreg:$0x2];
	[bflag:$0x3] =	sbarrier.arrive $0xFFFF;
	s2 =	simm.s32 @!p0 $0x1C02  }
0x5c: {  	[timem:s3], [sflag:s2] =	dma.local @!p0 [hbm:s0], s1  }
0x5d: {  	s0 =	simm.s32 @!p0 $0x2  }
0x5e: {  	_ =	swait.ge @!p0 [sflag:s0], s1  }
0x5f: {  	s1 =	ssub.s32 @!p0 $0x0, s1;
	[sflag:s0] =	ssyncset.done @!p0 $0x0  }
0x60: {  	[sflag:s0] =	ssyncadd.s32 @!p0 s1  }
0x61: {  	[bflag:$0x3] =	sbarrier.arrive $0xFFFF  }
0x62: {  	_ =	shalt  }

</sc_bundles>
